<compile_context>
chip_gen: v7x
topology: tpu7x:2x2x1
jax: 0.10.2.dev20260603
libtpu: 0.0.44.dev20260713+nightly
codegen_flags: <defaults>
</compile_context>

<pallas_src>
import functools

import jax
import jax.numpy as jnp
from jax import lax
from jax.experimental import pallas as pl
from jax.experimental.pallas import tpu as pltpu
from jax.experimental.pallas import tpu_sc as plsc

NC = 2
NS = 16
NW = NC * NS
L = 16

G = 125
GE = 80

_mesh = functools.partial(
    plsc.VectorSubcoreMesh,
    core_axis_name="c", subcore_axis_name="s", num_cores=NC, num_subcores=NS,
)


def _make_sc_degree(n_pad, e):
    gpt = e // NS // G
    rpt = n_pad // NS

    @functools.partial(
        pl.kernel,
        out_type=jax.ShapeDtypeStruct((n_pad,), jnp.float32),
        mesh=_mesh(),
        scratch_types=[
            pltpu.VMEM((gpt, G), jnp.int32),
            pltpu.VMEM((G,), jnp.float32),
            pltpu.VMEM((rpt,), jnp.float32),
            pltpu.VMEM_SHARED((n_pad,), jnp.float32),
        ],
    )
    def sc_degree(dst_hbm, ones_hbm, zeros_hbm, cnt_hbm, idx_v, ones_v, buf_v,
                  cnt_sh):
        cid = lax.axis_index("c")
        sid = lax.axis_index("s")

        @pl.when(cid == 0)
        def _():
            base = sid * rpt
            pltpu.sync_copy(zeros_hbm.at[pl.ds(0, rpt)], buf_v)
            pltpu.sync_copy(buf_v, cnt_sh.at[pl.ds(base, rpt)])
            pltpu.sync_copy(ones_hbm, ones_v)
            pltpu.sync_copy(dst_hbm.at[sid], idx_v)
            plsc.subcore_barrier()

            def body(g, _):
                pltpu.sync_copy(ones_v, cnt_sh.at[idx_v.at[g]], add=True)
                return 0

            lax.fori_loop(0, gpt, body, 0)
            plsc.subcore_barrier()
            pltpu.sync_copy(cnt_sh.at[pl.ds(base, rpt)],
                            cnt_hbm.at[pl.ds(base, rpt)])

    return sc_degree


def _make_sc_scatter(n_pad, e, d):
    gpt = e // NW // G
    rpt = n_pad // NS

    @functools.partial(
        pl.kernel,
        out_type=jax.ShapeDtypeStruct((NC, n_pad, d), jnp.float32),
        mesh=_mesh(),
        scratch_types=[
            pltpu.VMEM((gpt, G), jnp.int32),
            pltpu.VMEM((gpt, G), jnp.int32),
            pltpu.VMEM((G, d), jnp.float32),
            pltpu.VMEM_SHARED((n_pad, d), jnp.float32),
            pltpu.SemaphoreType.DMA,
        ],
    )
    def sc_scatter(y_hbm, src_hbm, dst_hbm, zrows_hbm, agg_hbm, sidx, didx,
                   rows, tab, sem):
        cid = lax.axis_index("c")
        sid = lax.axis_index("s")
        w = cid * NS + sid
        base = sid * rpt

        pltpu.sync_copy(zrows_hbm, tab.at[pl.ds(base, rpt)])
        pltpu.sync_copy(src_hbm.at[w], sidx)
        pltpu.sync_copy(dst_hbm.at[w], didx)
        plsc.subcore_barrier()

        def body(g, _):
            pltpu.async_copy(y_hbm.at[sidx.at[g]], rows, sem).wait()
            pltpu.sync_copy(rows, tab.at[didx.at[g]], add=True)
            return 0

        lax.fori_loop(0, gpt, body, 0)
        plsc.subcore_barrier()
        pltpu.sync_copy(tab.at[pl.ds(base, rpt)],
                        agg_hbm.at[cid, pl.ds(base, rpt)])

    return sc_scatter


def _make_sc_edge(n_pad, e, d):
    gpt = e // NW // GE
    ept = e // NW

    @functools.partial(
        pl.kernel,
        out_type=jax.ShapeDtypeStruct((e, d), jnp.float32),
        mesh=_mesh(),
        scratch_types=[
            pltpu.VMEM((gpt, GE), jnp.int32),
            pltpu.VMEM((gpt, GE), jnp.int32),
            pltpu.VMEM((GE, d), jnp.float32),
            pltpu.VMEM((GE, d), jnp.float32),
            pltpu.SemaphoreType.DMA,
            pltpu.SemaphoreType.DMA,
        ],
    )
    def sc_edge(a_hbm, b_hbm, src_hbm, dst_hbm, t_hbm, sidx, didx, arows,
                brows, sema, semb):
        cid = lax.axis_index("c")
        sid = lax.axis_index("s")
        w = cid * NS + sid

        pltpu.sync_copy(src_hbm.at[w], sidx)
        pltpu.sync_copy(dst_hbm.at[w], didx)

        def body(g, _):
            ca = pltpu.async_copy(a_hbm.at[sidx.at[g]], arows, sema)
            cb = pltpu.async_copy(b_hbm.at[didx.at[g]], brows, semb)
            ca.wait()
            cb.wait()

            def row(r, _):
                for j in range(d // L):
                    s = pl.ds(j * L, L)
                    arows[r, s] = jnp.maximum(arows[r, s] + brows[r, s], 0.0)
                return 0

            lax.fori_loop(0, GE, row, 0)
            pltpu.sync_copy(arows, t_hbm.at[pl.ds(w * ept + g * GE, GE)])
            return 0

        lax.fori_loop(0, gpt, body, 0)

    return sc_edge


def _tc1_body(x_ref, w_ref, cnt_ref, y_ref):
    dis = lax.rsqrt(1.0 + cnt_ref[...])
    xw = jnp.dot(x_ref[...], w_ref[...], preferred_element_type=jnp.float32)
    y_ref[...] = dis * xw


def _tc2_body(a0_ref, a1_ref, y_ref, cnt_ref, b_ref, w_ref, o_ref):
    dis = lax.rsqrt(1.0 + cnt_ref[...])
    h = jnp.maximum(dis * (a0_ref[...] + a1_ref[...] + y_ref[...])
                    + b_ref[...], 0.0)
    o_ref[...] = dis * jnp.dot(h, w_ref[...],
                               preferred_element_type=jnp.float32)


def _tc3_body(a0_ref, a1_ref, y_ref, cnt_ref, b_ref, wt_ref, wb_ref, bm_ref,
              ao_ref, bo_ref):
    dis = lax.rsqrt(1.0 + cnt_ref[...])
    h = jnp.maximum(dis * (a0_ref[...] + a1_ref[...] + y_ref[...])
                    + b_ref[...], 0.0)
    ao_ref[...] = jnp.dot(h, wt_ref[...],
                          preferred_element_type=jnp.float32) + bm_ref[...]
    bo_ref[...] = jnp.dot(h, wb_ref[...], preferred_element_type=jnp.float32)


def _tc4_body(t_ref, w_ref, b_ref, z_ref):
    z_ref[...] = jnp.dot(t_ref[...], w_ref[...],
                         preferred_element_type=jnp.float32) + b_ref[...]


def _row_spec(r, c):
    return pl.BlockSpec((r, c), lambda i: (i, 0))


def _full_spec(r, c):
    return pl.BlockSpec((r, c), lambda i: (0, 0))


def kernel(x, edge_index, W1, b1, W2, b2, Wm1, bm1, Wm2, bm2):
    n, d_in = x.shape
    d_hid = W1.shape[1]
    d_lat = Wm2.shape[1]
    e = edge_index.shape[1]

    n_pad = ((n + NW * L - 1) // (NW * L)) * (NW * L)

    x_pad = jnp.concatenate(
        [x, jnp.zeros((n_pad - n, d_in), jnp.float32)], axis=0)
    src = edge_index[0].reshape(NW, e // NW // G, G)
    dst = edge_index[1].reshape(NW, e // NW // G, G)
    dst16 = edge_index[1].reshape(NS, e // NS // G, G)

    ones_g = jnp.ones((G,), jnp.float32)
    zeros_r = jnp.zeros((n_pad // NS,), jnp.float32)
    zrows = jnp.zeros((n_pad // NS, d_hid), jnp.float32)

    cnt1 = _make_sc_degree(n_pad, e)(dst16, ones_g, zeros_r)
    cnt = cnt1.reshape(n_pad, 1)

    R = 512
    grid_n = (n_pad // R,)
    dis_spec = pl.BlockSpec((R, 1), lambda i: (i, 0))

    y1 = pl.pallas_call(
        _tc1_body,
        grid=grid_n,
        in_specs=[_row_spec(R, d_in), _full_spec(d_in, d_hid), dis_spec],
        out_specs=_row_spec(R, d_hid),
        out_shape=jax.ShapeDtypeStruct((n_pad, d_hid), jnp.float32),
    )(x_pad, W1, cnt)

    sc_scatter = _make_sc_scatter(n_pad, e, d_hid)
    agg1 = sc_scatter(y1, src, dst, zrows)

    tc_mid_specs = [
        _row_spec(R, d_hid), _row_spec(R, d_hid), _row_spec(R, d_hid),
        dis_spec, _full_spec(1, d_hid),
    ]
    y2 = pl.pallas_call(
        _tc2_body,
        grid=grid_n,
        in_specs=tc_mid_specs + [_full_spec(d_hid, d_hid)],
        out_specs=_row_spec(R, d_hid),
        out_shape=jax.ShapeDtypeStruct((n_pad, d_hid), jnp.float32),
    )(agg1[0], agg1[1], y1, cnt, b1.reshape(1, d_hid), W2)

    agg2 = sc_scatter(y2, src, dst, zrows)

    A, B = pl.pallas_call(
        _tc3_body,
        grid=grid_n,
        in_specs=tc_mid_specs + [
            _full_spec(d_hid, d_hid), _full_spec(d_hid, d_hid),
            _full_spec(1, d_hid),
        ],
        out_specs=[_row_spec(R, d_hid), _row_spec(R, d_hid)],
        out_shape=[jax.ShapeDtypeStruct((n_pad, d_hid), jnp.float32),
                   jax.ShapeDtypeStruct((n_pad, d_hid), jnp.float32)],
    )(agg2[0], agg2[1], y2, cnt, b2.reshape(1, d_hid),
      Wm1[:d_hid], Wm1[d_hid:], bm1.reshape(1, d_hid))

    src_e = edge_index[0].reshape(NW, e // NW // GE, GE)
    dst_e = edge_index[1].reshape(NW, e // NW // GE, GE)
    t = _make_sc_edge(n_pad, e, d_hid)(A, B, src_e, dst_e)

    RE = 2000
    z = pl.pallas_call(
        _tc4_body,
        grid=(e // RE,),
        in_specs=[_row_spec(RE, d_hid), _full_spec(d_hid, d_lat),
                  _full_spec(1, d_lat)],
        out_specs=_row_spec(RE, d_lat),
        out_shape=jax.ShapeDtypeStruct((e, d_lat), jnp.float32),
    )(t, Wm2, bm2.reshape(1, d_lat))

    return z

# --- scband reference (transcript-rebuilt; emitter-appended) ---
"""Pipeline reference for scband-edge-encoder-27530740368055 (READ-ONLY COPY).

The authoritative reference and input builder live on the scoring server;
editing this copy changes nothing except your own understanding.
"""

import jax, jax.numpy as jnp
import numpy as np

N = 10000
E = 320000
D_IN = 128
D_HID = 128
D_LAT = 64


def setup_inputs(seed: int = 0):
    key = jax.random.key(seed)
    ks = jax.random.split(key, 12)
    x = jax.random.normal(ks[0], (N, D_IN), dtype=jnp.float32)
    edge_index = jax.random.randint(ks[1], (2, E), 0, N, dtype=jnp.int32)
    W1 = jax.random.normal(ks[2], (D_IN, D_HID), dtype=jnp.float32) * 0.05
    b1 = jnp.zeros((D_HID,), dtype=jnp.float32)
    W2 = jax.random.normal(ks[3], (D_HID, D_HID), dtype=jnp.float32) * 0.05
    b2 = jnp.zeros((D_HID,), dtype=jnp.float32)
    Wm1 = jax.random.normal(ks[4], (2 * D_HID, D_HID), dtype=jnp.float32) * 0.05
    bm1 = jnp.zeros((D_HID,), dtype=jnp.float32)
    Wm2 = jax.random.normal(ks[5], (D_HID, D_LAT), dtype=jnp.float32) * 0.05
    bm2 = jnp.zeros((D_LAT,), dtype=jnp.float32)
    return {"x": x, "edge_index": edge_index, "W1": W1, "b1": b1, "W2": W2, "b2": b2, "Wm1": Wm1, "bm1": bm1, "Wm2": Wm2, "bm2": bm2}


def gcn_conv(x, edge_index, W, b):
    # PyG GCNConv: add self loops, symmetric normalization D^-1/2 (A+I) D^-1/2 X W + b
    src = edge_index[0]
    dst = edge_index[1]
    loop = jnp.arange(N, dtype=src.dtype)
    s = jnp.concatenate([src, loop])
    d = jnp.concatenate([dst, loop])
    ew = jnp.ones(s.shape[0], dtype=jnp.float32)
    deg = jnp.zeros((N,), dtype=jnp.float32).at[d].add(ew)
    deg_inv_sqrt = jnp.where(deg > 0, jax.lax.rsqrt(jnp.maximum(deg, 1e-12)), 0.0)
    norm = deg_inv_sqrt[s] * ew * deg_inv_sqrt[d]
    xw = x @ W
    msgs = xw[s] * norm[:, None]
    out = jnp.zeros((N, W.shape[1]), dtype=xw.dtype).at[d].add(msgs)
    return out + b


def reference(x, edge_index, W1, b1, W2, b2, Wm1, bm1, Wm2, bm2):
    h = jax.nn.relu(gcn_conv(x, edge_index, W1, b1))
    h = jax.nn.relu(gcn_conv(h, edge_index, W2, b2))
    src = edge_index[0]
    dst = edge_index[1]
    h_src = h[src]
    h_dst = h[dst]
    edge_input = jnp.concatenate([h_src, h_dst], axis=1)
    z = jax.nn.relu(edge_input @ Wm1 + bm1) @ Wm2 + bm2
    return z

if __name__ == "__main__":
    import jax
    _d = setup_inputs()
    print(jax.jit(kernel)(*tuple(_d.values())))

</pallas_src>

<mosaic_0001>
#map = affine_map<(d0, d1) -> (0, 0)>
#map1 = affine_map<(d0, d1) -> (0, 0, 0)>
module attributes {stable_mosaic.version = 14 : i64} {
  func.func @sc_scatter(%arg0: i32, %arg1: i32, %arg2: memref<10240x128xf32, #tpu.memory_space<hbm>>, %arg3: memref<32x80x125xi32, #tpu.memory_space<hbm>>, %arg4: memref<32x80x125xi32, #tpu.memory_space<hbm>>, %arg5: memref<640x128xf32, #tpu.memory_space<hbm>>, %arg6: memref<2x10240x128xf32, #tpu.memory_space<hbm>>, %arg7: memref<80x125xi32, #tpu.memory_space<vmem>>, %arg8: memref<80x125xi32, #tpu.memory_space<vmem>>, %arg9: memref<125x128xf32, #tpu.memory_space<vmem>>, %arg10: memref<10240x128xf32, #tpu.memory_space<vmem_shared>>, %arg11: memref<!tpu.dma_semaphore, #tpu.memory_space<semaphore_mem>>) attributes {dimension_semantics = [#tpu.dimension_semantics<core_parallel>, #tpu.dimension_semantics<subcore_parallel>], iteration_bounds = array<i64: 2, 16>, scalar_prefetch = 0 : i64, scratch_operands = 5 : i64, tpu.core_type = #tpu.core_type<sc_vector_subcore>, window_params = [{transform_indices = #map}, {transform_indices = #map1}, {transform_indices = #map1}, {transform_indices = #map}, {transform_indices = #map1}]} {
    %mul3A = arith.constant 16 : i32
    %mul3A_0 = arith.muli %arg0, %mul3A : i32
    %add3A = arith.addi %mul3A_0, %arg1 : i32
    %mul3A_1 = arith.constant 640 : i32
    %mul3A_2 = arith.muli %arg1, %mul3A_1 : i32
    "tpu.region"() ({
      %run_scoped3A = tpu.sem_alloc : memref<!tpu.dma_semaphore, #tpu.memory_space<semaphore_mem>>
      %dma_start3A = arith.constant 0 : i32
      %dma_start3A_10 = tpu.memref_slice %arg10[%mul3A_2, %dma_start3A] : memref<10240x128xf32, #tpu.memory_space<vmem_shared>> -> memref<640x128xf32, #tpu.memory_space<vmem_shared>>
      tpu.enqueue_dma source(%arg5 : memref<640x128xf32, #tpu.memory_space<hbm>>) target(%dma_start3A_10 : memref<640x128xf32, #tpu.memory_space<vmem_shared>>) target_semaphore(%run_scoped3A : memref<!tpu.dma_semaphore, #tpu.memory_space<semaphore_mem>>)
      %dma_wait3A = arith.constant 0 : i32
      %dma_wait3A_11 = tpu.memref_slice %arg10[%mul3A_2, %dma_wait3A] : memref<10240x128xf32, #tpu.memory_space<vmem_shared>> -> memref<640x128xf32, #tpu.memory_space<vmem_shared>>
      tpu.wait_dma2 semaphore(%run_scoped3A : memref<!tpu.dma_semaphore, #tpu.memory_space<semaphore_mem>>) src(%arg5 : memref<640x128xf32, #tpu.memory_space<hbm>>) dst(%dma_wait3A_11 : memref<640x128xf32, #tpu.memory_space<vmem_shared>>)
      tpu.yield
    }) : () -> ()
    "tpu.region"() ({
      %run_scoped3A = tpu.sem_alloc : memref<!tpu.dma_semaphore, #tpu.memory_space<semaphore_mem>>
      %dma_start3A = arith.constant 0 : i32
      %dma_start3A_10 = arith.constant 0 : i32
      %dma_start3A_11 = tpu.memref_slice %arg3[%add3A, %dma_start3A, %dma_start3A_10] : memref<32x80x125xi32, #tpu.memory_space<hbm>> -> memref<1x80x125xi32, #tpu.memory_space<hbm>>
      %dma_start3A_12 = tpu.memref_squeeze %dma_start3A_11 : memref<1x80x125xi32, #tpu.memory_space<hbm>> -> memref<80x125xi32, #tpu.memory_space<hbm>>
      %dma_start3A_13 = arith.constant 0 : i32
      %dma_start3A_14 = arith.constant 0 : i32
      %dma_start3A_15 = tpu.memref_slice %arg3[%add3A, %dma_start3A_13, %dma_start3A_14] : memref<32x80x125xi32, #tpu.memory_space<hbm>> -> memref<1x80x125xi32, #tpu.memory_space<hbm>>
      %dma_start3A_16 = tpu.memref_squeeze %dma_start3A_15 : memref<1x80x125xi32, #tpu.memory_space<hbm>> -> memref<80x125xi32, #tpu.memory_space<hbm>>
      tpu.enqueue_dma source(%dma_start3A_16 : memref<80x125xi32, #tpu.memory_space<hbm>>) target(%arg7 : memref<80x125xi32, #tpu.memory_space<vmem>>) target_semaphore(%run_scoped3A : memref<!tpu.dma_semaphore, #tpu.memory_space<semaphore_mem>>)
      %dma_wait3A = arith.constant 0 : i32
      %dma_wait3A_17 = arith.constant 0 : i32
      %dma_wait3A_18 = tpu.memref_slice %arg3[%add3A, %dma_wait3A, %dma_wait3A_17] : memref<32x80x125xi32, #tpu.memory_space<hbm>> -> memref<1x80x125xi32, #tpu.memory_space<hbm>>
      %dma_wait3A_19 = tpu.memref_squeeze %dma_wait3A_18 : memref<1x80x125xi32, #tpu.memory_space<hbm>> -> memref<80x125xi32, #tpu.memory_space<hbm>>
      %dma_wait3A_20 = arith.constant 0 : i32
      %dma_wait3A_21 = arith.constant 0 : i32
      %dma_wait3A_22 = tpu.memref_slice %arg3[%add3A, %dma_wait3A_20, %dma_wait3A_21] : memref<32x80x125xi32, #tpu.memory_space<hbm>> -> memref<1x80x125xi32, #tpu.memory_space<hbm>>
      %dma_wait3A_23 = tpu.memref_squeeze %dma_wait3A_22 : memref<1x80x125xi32, #tpu.memory_space<hbm>> -> memref<80x125xi32, #tpu.memory_space<hbm>>
      tpu.wait_dma2 semaphore(%run_scoped3A : memref<!tpu.dma_semaphore, #tpu.memory_space<semaphore_mem>>) src(%dma_wait3A_23 : memref<80x125xi32, #tpu.memory_space<hbm>>) dst(%arg7 : memref<80x125xi32, #tpu.memory_space<vmem>>)
      tpu.yield
    }) : () -> ()
    "tpu.region"() ({
      %run_scoped3A = tpu.sem_alloc : memref<!tpu.dma_semaphore, #tpu.memory_space<semaphore_mem>>
      %dma_start3A = arith.constant 0 : i32
      %dma_start3A_10 = arith.constant 0 : i32
      %dma_start3A_11 = tpu.memref_slice %arg4[%add3A, %dma_start3A, %dma_start3A_10] : memref<32x80x125xi32, #tpu.memory_space<hbm>> -> memref<1x80x125xi32, #tpu.memory_space<hbm>>
      %dma_start3A_12 = tpu.memref_squeeze %dma_start3A_11 : memref<1x80x125xi32, #tpu.memory_space<hbm>> -> memref<80x125xi32, #tpu.memory_space<hbm>>
      %dma_start3A_13 = arith.constant 0 : i32
      %dma_start3A_14 = arith.constant 0 : i32
      %dma_start3A_15 = tpu.memref_slice %arg4[%add3A, %dma_start3A_13, %dma_start3A_14] : memref<32x80x125xi32, #tpu.memory_space<hbm>> -> memref<1x80x125xi32, #tpu.memory_space<hbm>>
      %dma_start3A_16 = tpu.memref_squeeze %dma_start3A_15 : memref<1x80x125xi32, #tpu.memory_space<hbm>> -> memref<80x125xi32, #tpu.memory_space<hbm>>
      tpu.enqueue_dma source(%dma_start3A_16 : memref<80x125xi32, #tpu.memory_space<hbm>>) target(%arg8 : memref<80x125xi32, #tpu.memory_space<vmem>>) target_semaphore(%run_scoped3A : memref<!tpu.dma_semaphore, #tpu.memory_space<semaphore_mem>>)
      %dma_wait3A = arith.constant 0 : i32
      %dma_wait3A_17 = arith.constant 0 : i32
      %dma_wait3A_18 = tpu.memref_slice %arg4[%add3A, %dma_wait3A, %dma_wait3A_17] : memref<32x80x125xi32, #tpu.memory_space<hbm>> -> memref<1x80x125xi32, #tpu.memory_space<hbm>>
      %dma_wait3A_19 = tpu.memref_squeeze %dma_wait3A_18 : memref<1x80x125xi32, #tpu.memory_space<hbm>> -> memref<80x125xi32, #tpu.memory_space<hbm>>
      %dma_wait3A_20 = arith.constant 0 : i32
      %dma_wait3A_21 = arith.constant 0 : i32
      %dma_wait3A_22 = tpu.memref_slice %arg4[%add3A, %dma_wait3A_20, %dma_wait3A_21] : memref<32x80x125xi32, #tpu.memory_space<hbm>> -> memref<1x80x125xi32, #tpu.memory_space<hbm>>
      %dma_wait3A_23 = tpu.memref_squeeze %dma_wait3A_22 : memref<1x80x125xi32, #tpu.memory_space<hbm>> -> memref<80x125xi32, #tpu.memory_space<hbm>>
      tpu.wait_dma2 semaphore(%run_scoped3A : memref<!tpu.dma_semaphore, #tpu.memory_space<semaphore_mem>>) src(%dma_wait3A_23 : memref<80x125xi32, #tpu.memory_space<hbm>>) dst(%arg8 : memref<80x125xi32, #tpu.memory_space<vmem>>)
      tpu.yield
    }) : () -> ()
    %barrier3A = arith.constant 0 : index
    tpu.barrier barrier_id(%barrier3A)
    %scan3A = arith.constant 0 : i32
    %scan3A_3 = arith.constant 0 : i32
    %scan3A_4 = arith.constant 80 : i32
    %scan3A_5 = arith.addi %scan3A_3, %scan3A_4 : i32
    %scan3A_6 = arith.constant 1 : i32
    %scan3A_7 = scf.for %scan3A_10 = %scan3A_3 to %scan3A_5 step %scan3A_6 iter_args(%scan3A_11 = %scan3A) -> (i32)  : i32 {
      %dma_start3A = arith.constant 0 : i32
      %dma_start3A_12 = tpu.memref_slice %arg7[%scan3A_10, %dma_start3A] : memref<80x125xi32, #tpu.memory_space<vmem>> -> memref<1x125xi32, #tpu.memory_space<vmem>>
      %dma_start3A_13 = tpu.memref_squeeze %dma_start3A_12 : memref<1x125xi32, #tpu.memory_space<vmem>> -> memref<125xi32, #tpu.memory_space<vmem>>
      %dma_start3A_14 = arith.constant 0 : i32
      %dma_start3A_15 = arith.constant 0 : i32
      %dma_start3A_16 = tpu.memref_slice %arg2[%dma_start3A_14, %dma_start3A_15] : memref<10240x128xf32, #tpu.memory_space<hbm>> -> memref<10240x128xf32, #tpu.memory_space<hbm>>
      tpu.enqueue_indirect_dma source(%dma_start3A_16 : memref<10240x128xf32, #tpu.memory_space<hbm>>) target(%arg9 : memref<125x128xf32, #tpu.memory_space<vmem>>) offsets(%dma_start3A_13 : memref<125xi32, #tpu.memory_space<vmem>>) semaphore(%arg11 : memref<!tpu.dma_semaphore, #tpu.memory_space<semaphore_mem>>)
      %dma_wait3A = arith.constant 0 : i32
      %dma_wait3A_17 = tpu.memref_slice %arg7[%scan3A_10, %dma_wait3A] : memref<80x125xi32, #tpu.memory_space<vmem>> -> memref<1x125xi32, #tpu.memory_space<vmem>>
      %dma_wait3A_18 = tpu.memref_squeeze %dma_wait3A_17 : memref<1x125xi32, #tpu.memory_space<vmem>> -> memref<125xi32, #tpu.memory_space<vmem>>
      %dma_wait3A_19 = arith.constant 0 : i32
      %dma_wait3A_20 = arith.constant 0 : i32
      %dma_wait3A_21 = tpu.memref_slice %arg2[%dma_wait3A_19, %dma_wait3A_20] : memref<10240x128xf32, #tpu.memory_space<hbm>> -> memref<10240x128xf32, #tpu.memory_space<hbm>>
      tpu.wait_indirect_dma semaphore(%arg11 : memref<!tpu.dma_semaphore, #tpu.memory_space<semaphore_mem>>) src(%dma_wait3A_21 : memref<10240x128xf32, #tpu.memory_space<hbm>>) dst(%arg9 : memref<125x128xf32, #tpu.memory_space<vmem>>)
      "tpu.region"() ({
        %run_scoped3A = tpu.sem_alloc : memref<!tpu.dma_semaphore, #tpu.memory_space<semaphore_mem>>
        %dma_start3A_23 = arith.constant 0 : i32
        %dma_start3A_24 = tpu.memref_slice %arg8[%scan3A_10, %dma_start3A_23] : memref<80x125xi32, #tpu.memory_space<vmem>> -> memref<1x125xi32, #tpu.memory_space<vmem>>
        %dma_start3A_25 = tpu.memref_squeeze %dma_start3A_24 : memref<1x125xi32, #tpu.memory_space<vmem>> -> memref<125xi32, #tpu.memory_space<vmem>>
        %dma_start3A_26 = arith.constant 0 : i32
        %dma_start3A_27 = arith.constant 0 : i32
        %dma_start3A_28 = tpu.memref_slice %arg10[%dma_start3A_26, %dma_start3A_27] : memref<10240x128xf32, #tpu.memory_space<vmem_shared>> -> memref<10240x128xf32, #tpu.memory_space<vmem_shared>>
        tpu.enqueue_indirect_dma source(%arg9 : memref<125x128xf32, #tpu.memory_space<vmem>>) target(%dma_start3A_28 : memref<10240x128xf32, #tpu.memory_space<vmem_shared>>) offsets(%dma_start3A_25 : memref<125xi32, #tpu.memory_space<vmem>>) semaphore(%run_scoped3A : memref<!tpu.dma_semaphore, #tpu.memory_space<semaphore_mem>>) {add = true}
        %dma_wait3A_29 = arith.constant 0 : i32
        %dma_wait3A_30 = tpu.memref_slice %arg8[%scan3A_10, %dma_wait3A_29] : memref<80x125xi32, #tpu.memory_space<vmem>> -> memref<1x125xi32, #tpu.memory_space<vmem>>
        %dma_wait3A_31 = tpu.memref_squeeze %dma_wait3A_30 : memref<1x125xi32, #tpu.memory_space<vmem>> -> memref<125xi32, #tpu.memory_space<vmem>>
        %dma_wait3A_32 = arith.constant 0 : i32
        %dma_wait3A_33 = arith.constant 0 : i32
        %dma_wait3A_34 = tpu.memref_slice %arg10[%dma_wait3A_32, %dma_wait3A_33] : memref<10240x128xf32, #tpu.memory_space<vmem_shared>> -> memref<10240x128xf32, #tpu.memory_space<vmem_shared>>
        tpu.wait_indirect_dma semaphore(%run_scoped3A : memref<!tpu.dma_semaphore, #tpu.memory_space<semaphore_mem>>) src(%arg9 : memref<125x128xf32, #tpu.memory_space<vmem>>) dst(%dma_wait3A_34 : memref<10240x128xf32, #tpu.memory_space<vmem_shared>>)
        tpu.yield
      }) : () -> ()
      %scan3A_22 = arith.constant 0 : i32
      scf.yield %scan3A_22 : i32
    }
    %scan3A_8 = arith.constant 80 : i32
    %barrier3A_9 = arith.constant 0 : index
    tpu.barrier barrier_id(%barrier3A_9)
    "tpu.region"() ({
      %run_scoped3A = tpu.sem_alloc : memref<!tpu.dma_semaphore, #tpu.memory_space<semaphore_mem>>
      %dma_start3A = arith.constant 0 : i32
      %dma_start3A_10 = tpu.memref_slice %arg6[%arg0, %mul3A_2, %dma_start3A] : memref<2x10240x128xf32, #tpu.memory_space<hbm>> -> memref<1x640x128xf32, #tpu.memory_space<hbm>>
      %dma_start3A_11 = tpu.memref_squeeze %dma_start3A_10 : memref<1x640x128xf32, #tpu.memory_space<hbm>> -> memref<640x128xf32, #tpu.memory_space<hbm>>
      %dma_start3A_12 = arith.constant 0 : i32
      %dma_start3A_13 = tpu.memref_slice %arg10[%mul3A_2, %dma_start3A_12] : memref<10240x128xf32, #tpu.memory_space<vmem_shared>> -> memref<640x128xf32, #tpu.memory_space<vmem_shared>>
      tpu.enqueue_dma source(%dma_start3A_13 : memref<640x128xf32, #tpu.memory_space<vmem_shared>>) target(%dma_start3A_11 : memref<640x128xf32, #tpu.memory_space<hbm>>) target_semaphore(%run_scoped3A : memref<!tpu.dma_semaphore, #tpu.memory_space<semaphore_mem>>)
      %dma_wait3A = arith.constant 0 : i32
      %dma_wait3A_14 = tpu.memref_slice %arg6[%arg0, %mul3A_2, %dma_wait3A] : memref<2x10240x128xf32, #tpu.memory_space<hbm>> -> memref<1x640x128xf32, #tpu.memory_space<hbm>>
      %dma_wait3A_15 = tpu.memref_squeeze %dma_wait3A_14 : memref<1x640x128xf32, #tpu.memory_space<hbm>> -> memref<640x128xf32, #tpu.memory_space<hbm>>
      %dma_wait3A_16 = arith.constant 0 : i32
      %dma_wait3A_17 = tpu.memref_slice %arg10[%mul3A_2, %dma_wait3A_16] : memref<10240x128xf32, #tpu.memory_space<vmem_shared>> -> memref<640x128xf32, #tpu.memory_space<vmem_shared>>
      tpu.wait_dma2 semaphore(%run_scoped3A : memref<!tpu.dma_semaphore, #tpu.memory_space<semaphore_mem>>) src(%dma_wait3A_17 : memref<640x128xf32, #tpu.memory_space<vmem_shared>>) dst(%dma_wait3A_15 : memref<640x128xf32, #tpu.memory_space<hbm>>)
      tpu.yield
    }) : () -> ()
    return
  }
}

#map = affine_map<(d0, d1) -> (0, 0, 0)>
#map1 = affine_map<(d0, d1) -> (0)>
module attributes {stable_mosaic.version = 14 : i64} {
  func.func @sc_degree(%arg0: i32, %arg1: i32, %arg2: memref<16x160x125xi32, #tpu.memory_space<hbm>>, %arg3: memref<125xf32, #tpu.memory_space<hbm>>, %arg4: memref<640xf32, #tpu.memory_space<hbm>>, %arg5: memref<10240xf32, #tpu.memory_space<hbm>>, %arg6: memref<160x125xi32, #tpu.memory_space<vmem>>, %arg7: memref<125xf32, #tpu.memory_space<vmem>>, %arg8: memref<640xf32, #tpu.memory_space<vmem>>, %arg9: memref<10240xf32, #tpu.memory_space<vmem_shared>>) attributes {dimension_semantics = [#tpu.dimension_semantics<core_parallel>, #tpu.dimension_semantics<subcore_parallel>], iteration_bounds = array<i64: 2, 16>, scalar_prefetch = 0 : i64, scratch_operands = 4 : i64, tpu.core_type = #tpu.core_type<sc_vector_subcore>, window_params = [{transform_indices = #map}, {transform_indices = #map1}, {transform_indices = #map1}, {transform_indices = #map1}]} {
    %eq3A = arith.constant 0 : i32
    %eq3A_0 = arith.cmpi eq, %arg0, %eq3A : i32
    %convert_element_type3A = arith.extui %eq3A_0 : i1 to i32
    %cond3A = arith.constant 0 : i32
    %cond3A_1 = arith.cmpi ne, %convert_element_type3A, %cond3A : i32
    scf.if %cond3A_1 {
      %mul3A = arith.constant 640 : i32
      %mul3A_2 = arith.muli %arg1, %mul3A : i32
      "tpu.region"() ({
        %run_scoped3A = tpu.sem_alloc : memref<!tpu.dma_semaphore, #tpu.memory_space<semaphore_mem>>
        %dma_start3A = arith.constant 0 : i32
        %dma_start3A_10 = tpu.memref_slice %arg4[%dma_start3A] : memref<640xf32, #tpu.memory_space<hbm>> -> memref<640xf32, #tpu.memory_space<hbm>>
        %dma_start3A_11 = arith.constant 0 : i32
        %dma_start3A_12 = tpu.memref_slice %arg4[%dma_start3A_11] : memref<640xf32, #tpu.memory_space<hbm>> -> memref<640xf32, #tpu.memory_space<hbm>>
        tpu.enqueue_dma source(%dma_start3A_12 : memref<640xf32, #tpu.memory_space<hbm>>) target(%arg8 : memref<640xf32, #tpu.memory_space<vmem>>) target_semaphore(%run_scoped3A : memref<!tpu.dma_semaphore, #tpu.memory_space<semaphore_mem>>)
        %dma_wait3A = arith.constant 0 : i32
        %dma_wait3A_13 = tpu.memref_slice %arg4[%dma_wait3A] : memref<640xf32, #tpu.memory_space<hbm>> -> memref<640xf32, #tpu.memory_space<hbm>>
        %dma_wait3A_14 = arith.constant 0 : i32
        %dma_wait3A_15 = tpu.memref_slice %arg4[%dma_wait3A_14] : memref<640xf32, #tpu.memory_space<hbm>> -> memref<640xf32, #tpu.memory_space<hbm>>
        tpu.wait_dma2 semaphore(%run_scoped3A : memref<!tpu.dma_semaphore, #tpu.memory_space<semaphore_mem>>) src(%dma_wait3A_15 : memref<640xf32, #tpu.memory_space<hbm>>) dst(%arg8 : memref<640xf32, #tpu.memory_space<vmem>>)
        tpu.yield
      }) : () -> ()
      "tpu.region"() ({
        %run_scoped3A = tpu.sem_alloc : memref<!tpu.dma_semaphore, #tpu.memory_space<semaphore_mem>>
        %dma_start3A = tpu.memref_slice %arg9[%mul3A_2] : memref<10240xf32, #tpu.memory_space<vmem_shared>> -> memref<640xf32, #tpu.memory_space<vmem_shared>>
        %dma_start3A_10 = tpu.memref_slice %arg9[%mul3A_2] : memref<10240xf32, #tpu.memory_space<vmem_shared>> -> memref<640xf32, #tpu.memory_space<vmem_shared>>
        tpu.enqueue_dma source(%arg8 : memref<640xf32, #tpu.memory_space<vmem>>) target(%dma_start3A_10 : memref<640xf32, #tpu.memory_space<vmem_shared>>) target_semaphore(%run_scoped3A : memref<!tpu.dma_semaphore, #tpu.memory_space<semaphore_mem>>)
        %dma_wait3A = tpu.memref_slice %arg9[%mul3A_2] : memref<10240xf32, #tpu.memory_space<vmem_shared>> -> memref<640xf32, #tpu.memory_space<vmem_shared>>
        %dma_wait3A_11 = tpu.memref_slice %arg9[%mul3A_2] : memref<10240xf32, #tpu.memory_space<vmem_shared>> -> memref<640xf32, #tpu.memory_space<vmem_shared>>
        tpu.wait_dma2 semaphore(%run_scoped3A : memref<!tpu.dma_semaphore, #tpu.memory_space<semaphore_mem>>) src(%arg8 : memref<640xf32, #tpu.memory_space<vmem>>) dst(%dma_wait3A_11 : memref<640xf32, #tpu.memory_space<vmem_shared>>)
        tpu.yield
      }) : () -> ()
      "tpu.region"() ({
        %run_scoped3A = tpu.sem_alloc : memref<!tpu.dma_semaphore, #tpu.memory_space<semaphore_mem>>
        tpu.enqueue_dma source(%arg3 : memref<125xf32, #tpu.memory_space<hbm>>) target(%arg7 : memref<125xf32, #tpu.memory_space<vmem>>) target_semaphore(%run_scoped3A : memref<!tpu.dma_semaphore, #tpu.memory_space<semaphore_mem>>)
        tpu.wait_dma2 semaphore(%run_scoped3A : memref<!tpu.dma_semaphore, #tpu.memory_space<semaphore_mem>>) src(%arg3 : memref<125xf32, #tpu.memory_space<hbm>>) dst(%arg7 : memref<125xf32, #tpu.memory_space<vmem>>)
        tpu.yield
      }) : () -> ()
      "tpu.region"() ({
        %run_scoped3A = tpu.sem_alloc : memref<!tpu.dma_semaphore, #tpu.memory_space<semaphore_mem>>
        %dma_start3A = arith.constant 0 : i32
        %dma_start3A_10 = arith.constant 0 : i32
        %dma_start3A_11 = tpu.memref_slice %arg2[%arg1, %dma_start3A, %dma_start3A_10] : memref<16x160x125xi32, #tpu.memory_space<hbm>> -> memref<1x160x125xi32, #tpu.memory_space<hbm>>
        %dma_start3A_12 = tpu.memref_squeeze %dma_start3A_11 : memref<1x160x125xi32, #tpu.memory_space<hbm>> -> memref<160x125xi32, #tpu.memory_space<hbm>>
        %dma_start3A_13 = arith.constant 0 : i32
        %dma_start3A_14 = arith.constant 0 : i32
        %dma_start3A_15 = tpu.memref_slice %arg2[%arg1, %dma_start3A_13, %dma_start3A_14] : memref<16x160x125xi32, #tpu.memory_space<hbm>> -> memref<1x160x125xi32, #tpu.memory_space<hbm>>
        %dma_start3A_16 = tpu.memref_squeeze %dma_start3A_15 : memref<1x160x125xi32, #tpu.memory_space<hbm>> -> memref<160x125xi32, #tpu.memory_space<hbm>>
        tpu.enqueue_dma source(%dma_start3A_16 : memref<160x125xi32, #tpu.memory_space<hbm>>) target(%arg6 : memref<160x125xi32, #tpu.memory_space<vmem>>) target_semaphore(%run_scoped3A : memref<!tpu.dma_semaphore, #tpu.memory_space<semaphore_mem>>)
        %dma_wait3A = arith.constant 0 : i32
        %dma_wait3A_17 = arith.constant 0 : i32
        %dma_wait3A_18 = tpu.memref_slice %arg2[%arg1, %dma_wait3A, %dma_wait3A_17] : memref<16x160x125xi32, #tpu.memory_space<hbm>> -> memref<1x160x125xi32, #tpu.memory_space<hbm>>
        %dma_wait3A_19 = tpu.memref_squeeze %dma_wait3A_18 : memref<1x160x125xi32, #tpu.memory_space<hbm>> -> memref<160x125xi32, #tpu.memory_space<hbm>>
        %dma_wait3A_20 = arith.constant 0 : i32
        %dma_wait3A_21 = arith.constant 0 : i32
        %dma_wait3A_22 = tpu.memref_slice %arg2[%arg1, %dma_wait3A_20, %dma_wait3A_21] : memref<16x160x125xi32, #tpu.memory_space<hbm>> -> memref<1x160x125xi32, #tpu.memory_space<hbm>>
        %dma_wait3A_23 = tpu.memref_squeeze %dma_wait3A_22 : memref<1x160x125xi32, #tpu.memory_space<hbm>> -> memref<160x125xi32, #tpu.memory_space<hbm>>
        tpu.wait_dma2 semaphore(%run_scoped3A : memref<!tpu.dma_semaphore, #tpu.memory_space<semaphore_mem>>) src(%dma_wait3A_23 : memref<160x125xi32, #tpu.memory_space<hbm>>) dst(%arg6 : memref<160x125xi32, #tpu.memory_space<vmem>>)
        tpu.yield
      }) : () -> ()
      %barrier3A = arith.constant 0 : index
      tpu.barrier barrier_id(%barrier3A)
      %scan3A = arith.constant 0 : i32
      %scan3A_3 = arith.constant 0 : i32
      %scan3A_4 = arith.constant 160 : i32
      %scan3A_5 = arith.addi %scan3A_3, %scan3A_4 : i32
      %scan3A_6 = arith.constant 1 : i32
      %scan3A_7 = scf.for %scan3A_10 = %scan3A_3 to %scan3A_5 step %scan3A_6 iter_args(%scan3A_11 = %scan3A) -> (i32)  : i32 {
        "tpu.region"() ({
          %run_scoped3A = tpu.sem_alloc : memref<!tpu.dma_semaphore, #tpu.memory_space<semaphore_mem>>
          %dma_start3A = arith.constant 0 : i32
          %dma_start3A_13 = tpu.memref_slice %arg6[%scan3A_10, %dma_start3A] : memref<160x125xi32, #tpu.memory_space<vmem>> -> memref<1x125xi32, #tpu.memory_space<vmem>>
          %dma_start3A_14 = tpu.memref_squeeze %dma_start3A_13 : memref<1x125xi32, #tpu.memory_space<vmem>> -> memref<125xi32, #tpu.memory_space<vmem>>
          %dma_start3A_15 = arith.constant 0 : i32
          %dma_start3A_16 = tpu.memref_slice %arg9[%dma_start3A_15] : memref<10240xf32, #tpu.memory_space<vmem_shared>> -> memref<10240xf32, #tpu.memory_space<vmem_shared>>
          tpu.enqueue_indirect_dma source(%arg7 : memref<125xf32, #tpu.memory_space<vmem>>) target(%dma_start3A_16 : memref<10240xf32, #tpu.memory_space<vmem_shared>>) offsets(%dma_start3A_14 : memref<125xi32, #tpu.memory_space<vmem>>) semaphore(%run_scoped3A : memref<!tpu.dma_semaphore, #tpu.memory_space<semaphore_mem>>) {add = true}
          %dma_wait3A = arith.constant 0 : i32
          %dma_wait3A_17 = tpu.memref_slice %arg6[%scan3A_10, %dma_wait3A] : memref<160x125xi32, #tpu.memory_space<vmem>> -> memref<1x125xi32, #tpu.memory_space<vmem>>
          %dma_wait3A_18 = tpu.memref_squeeze %dma_wait3A_17 : memref<1x125xi32, #tpu.memory_space<vmem>> -> memref<125xi32, #tpu.memory_space<vmem>>
          %dma_wait3A_19 = arith.constant 0 : i32
          %dma_wait3A_20 = tpu.memref_slice %arg9[%dma_wait3A_19] : memref<10240xf32, #tpu.memory_space<vmem_shared>> -> memref<10240xf32, #tpu.memory_space<vmem_shared>>
          tpu.wait_indirect_dma semaphore(%run_scoped3A : memref<!tpu.dma_semaphore, #tpu.memory_space<semaphore_mem>>) src(%arg7 : memref<125xf32, #tpu.memory_space<vmem>>) dst(%dma_wait3A_20 : memref<10240xf32, #tpu.memory_space<vmem_shared>>)
          tpu.yield
        }) : () -> ()
        %scan3A_12 = arith.constant 0 : i32
        scf.yield %scan3A_12 : i32
      }
      %scan3A_8 = arith.constant 160 : i32
      %barrier3A_9 = arith.constant 0 : index
      tpu.barrier barrier_id(%barrier3A_9)
      "tpu.region"() ({
        %run_scoped3A = tpu.sem_alloc : memref<!tpu.dma_semaphore, #tpu.memory_space<semaphore_mem>>
        %dma_start3A = tpu.memref_slice %arg5[%mul3A_2] : memref<10240xf32, #tpu.memory_space<hbm>> -> memref<640xf32, #tpu.memory_space<hbm>>
        %dma_start3A_10 = tpu.memref_slice %arg9[%mul3A_2] : memref<10240xf32, #tpu.memory_space<vmem_shared>> -> memref<640xf32, #tpu.memory_space<vmem_shared>>
        tpu.enqueue_dma source(%dma_start3A_10 : memref<640xf32, #tpu.memory_space<vmem_shared>>) target(%dma_start3A : memref<640xf32, #tpu.memory_space<hbm>>) target_semaphore(%run_scoped3A : memref<!tpu.dma_semaphore, #tpu.memory_space<semaphore_mem>>)
        %dma_wait3A = tpu.memref_slice %arg5[%mul3A_2] : memref<10240xf32, #tpu.memory_space<hbm>> -> memref<640xf32, #tpu.memory_space<hbm>>
        %dma_wait3A_11 = tpu.memref_slice %arg9[%mul3A_2] : memref<10240xf32, #tpu.memory_space<vmem_shared>> -> memref<640xf32, #tpu.memory_space<vmem_shared>>
        tpu.wait_dma2 semaphore(%run_scoped3A : memref<!tpu.dma_semaphore, #tpu.memory_space<semaphore_mem>>) src(%dma_wait3A_11 : memref<640xf32, #tpu.memory_space<vmem_shared>>) dst(%dma_wait3A : memref<640xf32, #tpu.memory_space<hbm>>)
        tpu.yield
      }) : () -> ()
    } else {
    }
    return
  }
}

#map = affine_map<(d0, d1) -> (0, 0)>
#map1 = affine_map<(d0, d1) -> (0, 0, 0)>
module attributes {stable_mosaic.version = 14 : i64} {
  func.func @sc_scatter(%arg0: i32, %arg1: i32, %arg2: memref<10240x128xf32, #tpu.memory_space<hbm>>, %arg3: memref<32x80x125xi32, #tpu.memory_space<hbm>>, %arg4: memref<32x80x125xi32, #tpu.memory_space<hbm>>, %arg5: memref<640x128xf32, #tpu.memory_space<hbm>>, %arg6: memref<2x10240x128xf32, #tpu.memory_space<hbm>>, %arg7: memref<80x125xi32, #tpu.memory_space<vmem>>, %arg8: memref<80x125xi32, #tpu.memory_space<vmem>>, %arg9: memref<125x128xf32, #tpu.memory_space<vmem>>, %arg10: memref<10240x128xf32, #tpu.memory_space<vmem_shared>>, %arg11: memref<!tpu.dma_semaphore, #tpu.memory_space<semaphore_mem>>) attributes {dimension_semantics = [#tpu.dimension_semantics<core_parallel>, #tpu.dimension_semantics<subcore_parallel>], iteration_bounds = array<i64: 2, 16>, scalar_prefetch = 0 : i64, scratch_operands = 5 : i64, tpu.core_type = #tpu.core_type<sc_vector_subcore>, window_params = [{transform_indices = #map}, {transform_indices = #map1}, {transform_indices = #map1}, {transform_indices = #map}, {transform_indices = #map1}]} {
    %mul3A = arith.constant 16 : i32
    %mul3A_0 = arith.muli %arg0, %mul3A : i32
    %add3A = arith.addi %mul3A_0, %arg1 : i32
    %mul3A_1 = arith.constant 640 : i32
    %mul3A_2 = arith.muli %arg1, %mul3A_1 : i32
    "tpu.region"() ({
      %run_scoped3A = tpu.sem_alloc : memref<!tpu.dma_semaphore, #tpu.memory_space<semaphore_mem>>
      %dma_start3A = arith.constant 0 : i32
      %dma_start3A_10 = tpu.memref_slice %arg10[%mul3A_2, %dma_start3A] : memref<10240x128xf32, #tpu.memory_space<vmem_shared>> -> memref<640x128xf32, #tpu.memory_space<vmem_shared>>
      tpu.enqueue_dma source(%arg5 : memref<640x128xf32, #tpu.memory_space<hbm>>) target(%dma_start3A_10 : memref<640x128xf32, #tpu.memory_space<vmem_shared>>) target_semaphore(%run_scoped3A : memref<!tpu.dma_semaphore, #tpu.memory_space<semaphore_mem>>)
      %dma_wait3A = arith.constant 0 : i32
      %dma_wait3A_11 = tpu.memref_slice %arg10[%mul3A_2, %dma_wait3A] : memref<10240x128xf32, #tpu.memory_space<vmem_shared>> -> memref<640x128xf32, #tpu.memory_space<vmem_shared>>
      tpu.wait_dma2 semaphore(%run_scoped3A : memref<!tpu.dma_semaphore, #tpu.memory_space<semaphore_mem>>) src(%arg5 : memref<640x128xf32, #tpu.memory_space<hbm>>) dst(%dma_wait3A_11 : memref<640x128xf32, #tpu.memory_space<vmem_shared>>)
      tpu.yield
    }) : () -> ()
    "tpu.region"() ({
      %run_scoped3A = tpu.sem_alloc : memref<!tpu.dma_semaphore, #tpu.memory_space<semaphore_mem>>
      %dma_start3A = arith.constant 0 : i32
      %dma_start3A_10 = arith.constant 0 : i32
      %dma_start3A_11 = tpu.memref_slice %arg3[%add3A, %dma_start3A, %dma_start3A_10] : memref<32x80x125xi32, #tpu.memory_space<hbm>> -> memref<1x80x125xi32, #tpu.memory_space<hbm>>
      %dma_start3A_12 = tpu.memref_squeeze %dma_start3A_11 : memref<1x80x125xi32, #tpu.memory_space<hbm>> -> memref<80x125xi32, #tpu.memory_space<hbm>>
      %dma_start3A_13 = arith.constant 0 : i32
      %dma_start3A_14 = arith.constant 0 : i32
      %dma_start3A_15 = tpu.memref_slice %arg3[%add3A, %dma_start3A_13, %dma_start3A_14] : memref<32x80x125xi32, #tpu.memory_space<hbm>> -> memref<1x80x125xi32, #tpu.memory_space<hbm>>
      %dma_start3A_16 = tpu.memref_squeeze %dma_start3A_15 : memref<1x80x125xi32, #tpu.memory_space<hbm>> -> memref<80x125xi32, #tpu.memory_space<hbm>>
      tpu.enqueue_dma source(%dma_start3A_16 : memref<80x125xi32, #tpu.memory_space<hbm>>) target(%arg7 : memref<80x125xi32, #tpu.memory_space<vmem>>) target_semaphore(%run_scoped3A : memref<!tpu.dma_semaphore, #tpu.memory_space<semaphore_mem>>)
      %dma_wait3A = arith.constant 0 : i32
      %dma_wait3A_17 = arith.constant 0 : i32
      %dma_wait3A_18 = tpu.memref_slice %arg3[%add3A, %dma_wait3A, %dma_wait3A_17] : memref<32x80x125xi32, #tpu.memory_space<hbm>> -> memref<1x80x125xi32, #tpu.memory_space<hbm>>
      %dma_wait3A_19 = tpu.memref_squeeze %dma_wait3A_18 : memref<1x80x125xi32, #tpu.memory_space<hbm>> -> memref<80x125xi32, #tpu.memory_space<hbm>>
      %dma_wait3A_20 = arith.constant 0 : i32
      %dma_wait3A_21 = arith.constant 0 : i32
      %dma_wait3A_22 = tpu.memref_slice %arg3[%add3A, %dma_wait3A_20, %dma_wait3A_21] : memref<32x80x125xi32, #tpu.memory_space<hbm>> -> memref<1x80x125xi32, #tpu.memory_space<hbm>>
      %dma_wait3A_23 = tpu.memref_squeeze %dma_wait3A_22 : memref<1x80x125xi32, #tpu.memory_space<hbm>> -> memref<80x125xi32, #tpu.memory_space<hbm>>
      tpu.wait_dma2 semaphore(%run_scoped3A : memref<!tpu.dma_semaphore, #tpu.memory_space<semaphore_mem>>) src(%dma_wait3A_23 : memref<80x125xi32, #tpu.memory_space<hbm>>) dst(%arg7 : memref<80x125xi32, #tpu.memory_space<vmem>>)
      tpu.yield
    }) : () -> ()
    "tpu.region"() ({
      %run_scoped3A = tpu.sem_alloc : memref<!tpu.dma_semaphore, #tpu.memory_space<semaphore_mem>>
      %dma_start3A = arith.constant 0 : i32
      %dma_start3A_10 = arith.constant 0 : i32
      %dma_start3A_11 = tpu.memref_slice %arg4[%add3A, %dma_start3A, %dma_start3A_10] : memref<32x80x125xi32, #tpu.memory_space<hbm>> -> memref<1x80x125xi32, #tpu.memory_space<hbm>>
      %dma_start3A_12 = tpu.memref_squeeze %dma_start3A_11 : memref<1x80x125xi32, #tpu.memory_space<hbm>> -> memref<80x125xi32, #tpu.memory_space<hbm>>
      %dma_start3A_13 = arith.constant 0 : i32
      %dma_start3A_14 = arith.constant 0 : i32
      %dma_start3A_15 = tpu.memref_slice %arg4[%add3A, %dma_start3A_13, %dma_start3A_14] : memref<32x80x125xi32, #tpu.memory_space<hbm>> -> memref<1x80x125xi32, #tpu.memory_space<hbm>>
      %dma_start3A_16 = tpu.memref_squeeze %dma_start3A_15 : memref<1x80x125xi32, #tpu.memory_space<hbm>> -> memref<80x125xi32, #tpu.memory_space<hbm>>
      tpu.enqueue_dma source(%dma_start3A_16 : memref<80x125xi32, #tpu.memory_space<hbm>>) target(%arg8 : memref<80x125xi32, #tpu.memory_space<vmem>>) target_semaphore(%run_scoped3A : memref<!tpu.dma_semaphore, #tpu.memory_space<semaphore_mem>>)
      %dma_wait3A = arith.constant 0 : i32
      %dma_wait3A_17 = arith.constant 0 : i32
      %dma_wait3A_18 = tpu.memref_slice %arg4[%add3A, %dma_wait3A, %dma_wait3A_17] : memref<32x80x125xi32, #tpu.memory_space<hbm>> -> memref<1x80x125xi32, #tpu.memory_space<hbm>>
      %dma_wait3A_19 = tpu.memref_squeeze %dma_wait3A_18 : memref<1x80x125xi32, #tpu.memory_space<hbm>> -> memref<80x125xi32, #tpu.memory_space<hbm>>
      %dma_wait3A_20 = arith.constant 0 : i32
      %dma_wait3A_21 = arith.constant 0 : i32
      %dma_wait3A_22 = tpu.memref_slice %arg4[%add3A, %dma_wait3A_20, %dma_wait3A_21] : memref<32x80x125xi32, #tpu.memory_space<hbm>> -> memref<1x80x125xi32, #tpu.memory_space<hbm>>
      %dma_wait3A_23 = tpu.memref_squeeze %dma_wait3A_22 : memref<1x80x125xi32, #tpu.memory_space<hbm>> -> memref<80x125xi32, #tpu.memory_space<hbm>>
      tpu.wait_dma2 semaphore(%run_scoped3A : memref<!tpu.dma_semaphore, #tpu.memory_space<semaphore_mem>>) src(%dma_wait3A_23 : memref<80x125xi32, #tpu.memory_space<hbm>>) dst(%arg8 : memref<80x125xi32, #tpu.memory_space<vmem>>)
      tpu.yield
    }) : () -> ()
    %barrier3A = arith.constant 0 : index
    tpu.barrier barrier_id(%barrier3A)
    %scan3A = arith.constant 0 : i32
    %scan3A_3 = arith.constant 0 : i32
    %scan3A_4 = arith.constant 80 : i32
    %scan3A_5 = arith.addi %scan3A_3, %scan3A_4 : i32
    %scan3A_6 = arith.constant 1 : i32
    %scan3A_7 = scf.for %scan3A_10 = %scan3A_3 to %scan3A_5 step %scan3A_6 iter_args(%scan3A_11 = %scan3A) -> (i32)  : i32 {
      %dma_start3A = arith.constant 0 : i32
      %dma_start3A_12 = tpu.memref_slice %arg7[%scan3A_10, %dma_start3A] : memref<80x125xi32, #tpu.memory_space<vmem>> -> memref<1x125xi32, #tpu.memory_space<vmem>>
      %dma_start3A_13 = tpu.memref_squeeze %dma_start3A_12 : memref<1x125xi32, #tpu.memory_space<vmem>> -> memref<125xi32, #tpu.memory_space<vmem>>
      %dma_start3A_14 = arith.constant 0 : i32
      %dma_start3A_15 = arith.constant 0 : i32
      %dma_start3A_16 = tpu.memref_slice %arg2[%dma_start3A_14, %dma_start3A_15] : memref<10240x128xf32, #tpu.memory_space<hbm>> -> memref<10240x128xf32, #tpu.memory_space<hbm>>
      tpu.enqueue_indirect_dma source(%dma_start3A_16 : memref<10240x128xf32, #tpu.memory_space<hbm>>) target(%arg9 : memref<125x128xf32, #tpu.memory_space<vmem>>) offsets(%dma_start3A_13 : memref<125xi32, #tpu.memory_space<vmem>>) semaphore(%arg11 : memref<!tpu.dma_semaphore, #tpu.memory_space<semaphore_mem>>)
      %dma_wait3A = arith.constant 0 : i32
      %dma_wait3A_17 = tpu.memref_slice %arg7[%scan3A_10, %dma_wait3A] : memref<80x125xi32, #tpu.memory_space<vmem>> -> memref<1x125xi32, #tpu.memory_space<vmem>>
      %dma_wait3A_18 = tpu.memref_squeeze %dma_wait3A_17 : memref<1x125xi32, #tpu.memory_space<vmem>> -> memref<125xi32, #tpu.memory_space<vmem>>
      %dma_wait3A_19 = arith.constant 0 : i32
      %dma_wait3A_20 = arith.constant 0 : i32
      %dma_wait3A_21 = tpu.memref_slice %arg2[%dma_wait3A_19, %dma_wait3A_20] : memref<10240x128xf32, #tpu.memory_space<hbm>> -> memref<10240x128xf32, #tpu.memory_space<hbm>>
      tpu.wait_indirect_dma semaphore(%arg11 : memref<!tpu.dma_semaphore, #tpu.memory_space<semaphore_mem>>) src(%dma_wait3A_21 : memref<10240x128xf32, #tpu.memory_space<hbm>>) dst(%arg9 : memref<125x128xf32, #tpu.memory_space<vmem>>)
      "tpu.region"() ({
        %run_scoped3A = tpu.sem_alloc : memref<!tpu.dma_semaphore, #tpu.memory_space<semaphore_mem>>
        %dma_start3A_23 = arith.constant 0 : i32
        %dma_start3A_24 = tpu.memref_slice %arg8[%scan3A_10, %dma_start3A_23] : memref<80x125xi32, #tpu.memory_space<vmem>> -> memref<1x125xi32, #tpu.memory_space<vmem>>
        %dma_start3A_25 = tpu.memref_squeeze %dma_start3A_24 : memref<1x125xi32, #tpu.memory_space<vmem>> -> memref<125xi32, #tpu.memory_space<vmem>>
        %dma_start3A_26 = arith.constant 0 : i32
        %dma_start3A_27 = arith.constant 0 : i32
        %dma_start3A_28 = tpu.memref_slice %arg10[%dma_start3A_26, %dma_start3A_27] : memref<10240x128xf32, #tpu.memory_space<vmem_shared>> -> memref<10240x128xf32, #tpu.memory_space<vmem_shared>>
        tpu.enqueue_indirect_dma source(%arg9 : memref<125x128xf32, #tpu.memory_space<vmem>>) target(%dma_start3A_28 : memref<10240x128xf32, #tpu.memory_space<vmem_shared>>) offsets(%dma_start3A_25 : memref<125xi32, #tpu.memory_space<vmem>>) semaphore(%run_scoped3A : memref<!tpu.dma_semaphore, #tpu.memory_space<semaphore_mem>>) {add = true}
        %dma_wait3A_29 = arith.constant 0 : i32
        %dma_wait3A_30 = tpu.memref_slice %arg8[%scan3A_10, %dma_wait3A_29] : memref<80x125xi32, #tpu.memory_space<vmem>> -> memref<1x125xi32, #tpu.memory_space<vmem>>
        %dma_wait3A_31 = tpu.memref_squeeze %dma_wait3A_30 : memref<1x125xi32, #tpu.memory_space<vmem>> -> memref<125xi32, #tpu.memory_space<vmem>>
        %dma_wait3A_32 = arith.constant 0 : i32
        %dma_wait3A_33 = arith.constant 0 : i32
        %dma_wait3A_34 = tpu.memref_slice %arg10[%dma_wait3A_32, %dma_wait3A_33] : memref<10240x128xf32, #tpu.memory_space<vmem_shared>> -> memref<10240x128xf32, #tpu.memory_space<vmem_shared>>
        tpu.wait_indirect_dma semaphore(%run_scoped3A : memref<!tpu.dma_semaphore, #tpu.memory_space<semaphore_mem>>) src(%arg9 : memref<125x128xf32, #tpu.memory_space<vmem>>) dst(%dma_wait3A_34 : memref<10240x128xf32, #tpu.memory_space<vmem_shared>>)
        tpu.yield
      }) : () -> ()
      %scan3A_22 = arith.constant 0 : i32
      scf.yield %scan3A_22 : i32
    }
    %scan3A_8 = arith.constant 80 : i32
    %barrier3A_9 = arith.constant 0 : index
    tpu.barrier barrier_id(%barrier3A_9)
    "tpu.region"() ({
      %run_scoped3A = tpu.sem_alloc : memref<!tpu.dma_semaphore, #tpu.memory_space<semaphore_mem>>
      %dma_start3A = arith.constant 0 : i32
      %dma_start3A_10 = tpu.memref_slice %arg6[%arg0, %mul3A_2, %dma_start3A] : memref<2x10240x128xf32, #tpu.memory_space<hbm>> -> memref<1x640x128xf32, #tpu.memory_space<hbm>>
      %dma_start3A_11 = tpu.memref_squeeze %dma_start3A_10 : memref<1x640x128xf32, #tpu.memory_space<hbm>> -> memref<640x128xf32, #tpu.memory_space<hbm>>
      %dma_start3A_12 = arith.constant 0 : i32
      %dma_start3A_13 = tpu.memref_slice %arg10[%mul3A_2, %dma_start3A_12] : memref<10240x128xf32, #tpu.memory_space<vmem_shared>> -> memref<640x128xf32, #tpu.memory_space<vmem_shared>>
      tpu.enqueue_dma source(%dma_start3A_13 : memref<640x128xf32, #tpu.memory_space<vmem_shared>>) target(%dma_start3A_11 : memref<640x128xf32, #tpu.memory_space<hbm>>) target_semaphore(%run_scoped3A : memref<!tpu.dma_semaphore, #tpu.memory_space<semaphore_mem>>)
      %dma_wait3A = arith.constant 0 : i32
      %dma_wait3A_14 = tpu.memref_slice %arg6[%arg0, %mul3A_2, %dma_wait3A] : memref<2x10240x128xf32, #tpu.memory_space<hbm>> -> memref<1x640x128xf32, #tpu.memory_space<hbm>>
      %dma_wait3A_15 = tpu.memref_squeeze %dma_wait3A_14 : memref<1x640x128xf32, #tpu.memory_space<hbm>> -> memref<640x128xf32, #tpu.memory_space<hbm>>
      %dma_wait3A_16 = arith.constant 0 : i32
      %dma_wait3A_17 = tpu.memref_slice %arg10[%mul3A_2, %dma_wait3A_16] : memref<10240x128xf32, #tpu.memory_space<vmem_shared>> -> memref<640x128xf32, #tpu.memory_space<vmem_shared>>
      tpu.wait_dma2 semaphore(%run_scoped3A : memref<!tpu.dma_semaphore, #tpu.memory_space<semaphore_mem>>) src(%dma_wait3A_17 : memref<640x128xf32, #tpu.memory_space<vmem_shared>>) dst(%dma_wait3A_15 : memref<640x128xf32, #tpu.memory_space<hbm>>)
      tpu.yield
    }) : () -> ()
    return
  }
}

#map = affine_map<(d0, d1) -> (0, 0)>
#map1 = affine_map<(d0, d1) -> (0, 0, 0)>
module attributes {stable_mosaic.version = 14 : i64} {
  func.func @sc_edge(%arg0: i32, %arg1: i32, %arg2: memref<10240x128xf32, #tpu.memory_space<hbm>>, %arg3: memref<10240x128xf32, #tpu.memory_space<hbm>>, %arg4: memref<32x125x80xi32, #tpu.memory_space<hbm>>, %arg5: memref<32x125x80xi32, #tpu.memory_space<hbm>>, %arg6: memref<320000x128xf32, #tpu.memory_space<hbm>>, %arg7: memref<125x80xi32, #tpu.memory_space<vmem>>, %arg8: memref<125x80xi32, #tpu.memory_space<vmem>>, %arg9: memref<80x128xf32, #tpu.memory_space<vmem>>, %arg10: memref<80x128xf32, #tpu.memory_space<vmem>>, %arg11: memref<!tpu.dma_semaphore, #tpu.memory_space<semaphore_mem>>, %arg12: memref<!tpu.dma_semaphore, #tpu.memory_space<semaphore_mem>>) attributes {dimension_semantics = [#tpu.dimension_semantics<core_parallel>, #tpu.dimension_semantics<subcore_parallel>], iteration_bounds = array<i64: 2, 16>, scalar_prefetch = 0 : i64, scratch_operands = 6 : i64, tpu.core_type = #tpu.core_type<sc_vector_subcore>, window_params = [{transform_indices = #map}, {transform_indices = #map}, {transform_indices = #map1}, {transform_indices = #map1}, {transform_indices = #map}]} {
    %mul3A = arith.constant 16 : i32
    %mul3A_0 = arith.muli %arg0, %mul3A : i32
    %add3A = arith.addi %mul3A_0, %arg1 : i32
    "tpu.region"() ({
      %run_scoped3A = tpu.sem_alloc : memref<!tpu.dma_semaphore, #tpu.memory_space<semaphore_mem>>
      %dma_start3A = arith.constant 0 : i32
      %dma_start3A_7 = arith.constant 0 : i32
      %dma_start3A_8 = tpu.memref_slice %arg4[%add3A, %dma_start3A, %dma_start3A_7] : memref<32x125x80xi32, #tpu.memory_space<hbm>> -> memref<1x125x80xi32, #tpu.memory_space<hbm>>
      %dma_start3A_9 = tpu.memref_squeeze %dma_start3A_8 : memref<1x125x80xi32, #tpu.memory_space<hbm>> -> memref<125x80xi32, #tpu.memory_space<hbm>>
      %dma_start3A_10 = arith.constant 0 : i32
      %dma_start3A_11 = arith.constant 0 : i32
      %dma_start3A_12 = tpu.memref_slice %arg4[%add3A, %dma_start3A_10, %dma_start3A_11] : memref<32x125x80xi32, #tpu.memory_space<hbm>> -> memref<1x125x80xi32, #tpu.memory_space<hbm>>
      %dma_start3A_13 = tpu.memref_squeeze %dma_start3A_12 : memref<1x125x80xi32, #tpu.memory_space<hbm>> -> memref<125x80xi32, #tpu.memory_space<hbm>>
      tpu.enqueue_dma source(%dma_start3A_13 : memref<125x80xi32, #tpu.memory_space<hbm>>) target(%arg7 : memref<125x80xi32, #tpu.memory_space<vmem>>) target_semaphore(%run_scoped3A : memref<!tpu.dma_semaphore, #tpu.memory_space<semaphore_mem>>)
      %dma_wait3A = arith.constant 0 : i32
      %dma_wait3A_14 = arith.constant 0 : i32
      %dma_wait3A_15 = tpu.memref_slice %arg4[%add3A, %dma_wait3A, %dma_wait3A_14] : memref<32x125x80xi32, #tpu.memory_space<hbm>> -> memref<1x125x80xi32, #tpu.memory_space<hbm>>
      %dma_wait3A_16 = tpu.memref_squeeze %dma_wait3A_15 : memref<1x125x80xi32, #tpu.memory_space<hbm>> -> memref<125x80xi32, #tpu.memory_space<hbm>>
      %dma_wait3A_17 = arith.constant 0 : i32
      %dma_wait3A_18 = arith.constant 0 : i32
      %dma_wait3A_19 = tpu.memref_slice %arg4[%add3A, %dma_wait3A_17, %dma_wait3A_18] : memref<32x125x80xi32, #tpu.memory_space<hbm>> -> memref<1x125x80xi32, #tpu.memory_space<hbm>>
      %dma_wait3A_20 = tpu.memref_squeeze %dma_wait3A_19 : memref<1x125x80xi32, #tpu.memory_space<hbm>> -> memref<125x80xi32, #tpu.memory_space<hbm>>
      tpu.wait_dma2 semaphore(%run_scoped3A : memref<!tpu.dma_semaphore, #tpu.memory_space<semaphore_mem>>) src(%dma_wait3A_20 : memref<125x80xi32, #tpu.memory_space<hbm>>) dst(%arg7 : memref<125x80xi32, #tpu.memory_space<vmem>>)
      tpu.yield
    }) : () -> ()
    "tpu.region"() ({
      %run_scoped3A = tpu.sem_alloc : memref<!tpu.dma_semaphore, #tpu.memory_space<semaphore_mem>>
      %dma_start3A = arith.constant 0 : i32
      %dma_start3A_7 = arith.constant 0 : i32
      %dma_start3A_8 = tpu.memref_slice %arg5[%add3A, %dma_start3A, %dma_start3A_7] : memref<32x125x80xi32, #tpu.memory_space<hbm>> -> memref<1x125x80xi32, #tpu.memory_space<hbm>>
      %dma_start3A_9 = tpu.memref_squeeze %dma_start3A_8 : memref<1x125x80xi32, #tpu.memory_space<hbm>> -> memref<125x80xi32, #tpu.memory_space<hbm>>
      %dma_start3A_10 = arith.constant 0 : i32
      %dma_start3A_11 = arith.constant 0 : i32
      %dma_start3A_12 = tpu.memref_slice %arg5[%add3A, %dma_start3A_10, %dma_start3A_11] : memref<32x125x80xi32, #tpu.memory_space<hbm>> -> memref<1x125x80xi32, #tpu.memory_space<hbm>>
      %dma_start3A_13 = tpu.memref_squeeze %dma_start3A_12 : memref<1x125x80xi32, #tpu.memory_space<hbm>> -> memref<125x80xi32, #tpu.memory_space<hbm>>
      tpu.enqueue_dma source(%dma_start3A_13 : memref<125x80xi32, #tpu.memory_space<hbm>>) target(%arg8 : memref<125x80xi32, #tpu.memory_space<vmem>>) target_semaphore(%run_scoped3A : memref<!tpu.dma_semaphore, #tpu.memory_space<semaphore_mem>>)
      %dma_wait3A = arith.constant 0 : i32
      %dma_wait3A_14 = arith.constant 0 : i32
      %dma_wait3A_15 = tpu.memref_slice %arg5[%add3A, %dma_wait3A, %dma_wait3A_14] : memref<32x125x80xi32, #tpu.memory_space<hbm>> -> memref<1x125x80xi32, #tpu.memory_space<hbm>>
      %dma_wait3A_16 = tpu.memref_squeeze %dma_wait3A_15 : memref<1x125x80xi32, #tpu.memory_space<hbm>> -> memref<125x80xi32, #tpu.memory_space<hbm>>
      %dma_wait3A_17 = arith.constant 0 : i32
      %dma_wait3A_18 = arith.constant 0 : i32
      %dma_wait3A_19 = tpu.memref_slice %arg5[%add3A, %dma_wait3A_17, %dma_wait3A_18] : memref<32x125x80xi32, #tpu.memory_space<hbm>> -> memref<1x125x80xi32, #tpu.memory_space<hbm>>
      %dma_wait3A_20 = tpu.memref_squeeze %dma_wait3A_19 : memref<1x125x80xi32, #tpu.memory_space<hbm>> -> memref<125x80xi32, #tpu.memory_space<hbm>>
      tpu.wait_dma2 semaphore(%run_scoped3A : memref<!tpu.dma_semaphore, #tpu.memory_space<semaphore_mem>>) src(%dma_wait3A_20 : memref<125x80xi32, #tpu.memory_space<hbm>>) dst(%arg8 : memref<125x80xi32, #tpu.memory_space<vmem>>)
      tpu.yield
    }) : () -> ()
    %scan3A = arith.constant 0 : i32
    %scan3A_1 = arith.constant 0 : i32
    %scan3A_2 = arith.constant 125 : i32
    %scan3A_3 = arith.addi %scan3A_1, %scan3A_2 : i32
    %scan3A_4 = arith.constant 1 : i32
    %scan3A_5 = scf.for %scan3A_7 = %scan3A_1 to %scan3A_3 step %scan3A_4 iter_args(%scan3A_8 = %scan3A) -> (i32)  : i32 {
      %dma_start3A = arith.constant 0 : i32
      %dma_start3A_9 = tpu.memref_slice %arg7[%scan3A_7, %dma_start3A] : memref<125x80xi32, #tpu.memory_space<vmem>> -> memref<1x80xi32, #tpu.memory_space<vmem>>
      %dma_start3A_10 = tpu.memref_squeeze %dma_start3A_9 : memref<1x80xi32, #tpu.memory_space<vmem>> -> memref<80xi32, #tpu.memory_space<vmem>>
      %dma_start3A_11 = arith.constant 0 : i32
      %dma_start3A_12 = arith.constant 0 : i32
      %dma_start3A_13 = tpu.memref_slice %arg2[%dma_start3A_11, %dma_start3A_12] : memref<10240x128xf32, #tpu.memory_space<hbm>> -> memref<10240x128xf32, #tpu.memory_space<hbm>>
      tpu.enqueue_indirect_dma source(%dma_start3A_13 : memref<10240x128xf32, #tpu.memory_space<hbm>>) target(%arg9 : memref<80x128xf32, #tpu.memory_space<vmem>>) offsets(%dma_start3A_10 : memref<80xi32, #tpu.memory_space<vmem>>) semaphore(%arg11 : memref<!tpu.dma_semaphore, #tpu.memory_space<semaphore_mem>>)
      %dma_start3A_14 = arith.constant 0 : i32
      %dma_start3A_15 = tpu.memref_slice %arg8[%scan3A_7, %dma_start3A_14] : memref<125x80xi32, #tpu.memory_space<vmem>> -> memref<1x80xi32, #tpu.memory_space<vmem>>
      %dma_start3A_16 = tpu.memref_squeeze %dma_start3A_15 : memref<1x80xi32, #tpu.memory_space<vmem>> -> memref<80xi32, #tpu.memory_space<vmem>>
      %dma_start3A_17 = arith.constant 0 : i32
      %dma_start3A_18 = arith.constant 0 : i32
      %dma_start3A_19 = tpu.memref_slice %arg3[%dma_start3A_17, %dma_start3A_18] : memref<10240x128xf32, #tpu.memory_space<hbm>> -> memref<10240x128xf32, #tpu.memory_space<hbm>>
      tpu.enqueue_indirect_dma source(%dma_start3A_19 : memref<10240x128xf32, #tpu.memory_space<hbm>>) target(%arg10 : memref<80x128xf32, #tpu.memory_space<vmem>>) offsets(%dma_start3A_16 : memref<80xi32, #tpu.memory_space<vmem>>) semaphore(%arg12 : memref<!tpu.dma_semaphore, #tpu.memory_space<semaphore_mem>>)
      %dma_wait3A = arith.constant 0 : i32
      %dma_wait3A_20 = tpu.memref_slice %arg7[%scan3A_7, %dma_wait3A] : memref<125x80xi32, #tpu.memory_space<vmem>> -> memref<1x80xi32, #tpu.memory_space<vmem>>
      %dma_wait3A_21 = tpu.memref_squeeze %dma_wait3A_20 : memref<1x80xi32, #tpu.memory_space<vmem>> -> memref<80xi32, #tpu.memory_space<vmem>>
      %dma_wait3A_22 = arith.constant 0 : i32
      %dma_wait3A_23 = arith.constant 0 : i32
      %dma_wait3A_24 = tpu.memref_slice %arg2[%dma_wait3A_22, %dma_wait3A_23] : memref<10240x128xf32, #tpu.memory_space<hbm>> -> memref<10240x128xf32, #tpu.memory_space<hbm>>
      tpu.wait_indirect_dma semaphore(%arg11 : memref<!tpu.dma_semaphore, #tpu.memory_space<semaphore_mem>>) src(%dma_wait3A_24 : memref<10240x128xf32, #tpu.memory_space<hbm>>) dst(%arg9 : memref<80x128xf32, #tpu.memory_space<vmem>>)
      %dma_wait3A_25 = arith.constant 0 : i32
      %dma_wait3A_26 = tpu.memref_slice %arg8[%scan3A_7, %dma_wait3A_25] : memref<125x80xi32, #tpu.memory_space<vmem>> -> memref<1x80xi32, #tpu.memory_space<vmem>>
      %dma_wait3A_27 = tpu.memref_squeeze %dma_wait3A_26 : memref<1x80xi32, #tpu.memory_space<vmem>> -> memref<80xi32, #tpu.memory_space<vmem>>
      %dma_wait3A_28 = arith.constant 0 : i32
      %dma_wait3A_29 = arith.constant 0 : i32
      %dma_wait3A_30 = tpu.memref_slice %arg3[%dma_wait3A_28, %dma_wait3A_29] : memref<10240x128xf32, #tpu.memory_space<hbm>> -> memref<10240x128xf32, #tpu.memory_space<hbm>>
      tpu.wait_indirect_dma semaphore(%arg12 : memref<!tpu.dma_semaphore, #tpu.memory_space<semaphore_mem>>) src(%dma_wait3A_30 : memref<10240x128xf32, #tpu.memory_space<hbm>>) dst(%arg10 : memref<80x128xf32, #tpu.memory_space<vmem>>)
      %scan3A_31 = arith.constant 0 : i32
      %scan3A_32 = arith.constant 0 : i32
      %scan3A_33 = arith.constant 80 : i32
      %scan3A_34 = arith.addi %scan3A_32, %scan3A_33 : i32
      %scan3A_35 = arith.constant 1 : i32
      %scan3A_36 = scf.for %scan3A_44 = %scan3A_32 to %scan3A_34 step %scan3A_35 iter_args(%scan3A_45 = %scan3A_31) -> (i32)  : i32 {
        %get3A = arith.index_cast %scan3A_44 : i32 to index
        %get3A_46 = arith.constant 0 : index
        %get3A_47 = tpu.vector_load %arg9[%get3A, %get3A_46] {strides = array<i32>} : memref<80x128xf32, #tpu.memory_space<vmem>>, vector<1x16xf32>,
        %get3A_48 = vector.shape_cast %get3A_47 : vector<1x16xf32> to vector<16xf32>
        %get3A_49 = arith.index_cast %scan3A_44 : i32 to index
        %get3A_50 = arith.constant 0 : index
        %get3A_51 = tpu.vector_load %arg10[%get3A_49, %get3A_50] {strides = array<i32>} : memref<80x128xf32, #tpu.memory_space<vmem>>, vector<1x16xf32>,
        %get3A_52 = vector.shape_cast %get3A_51 : vector<1x16xf32> to vector<16xf32>
        %add3A_53 = arith.addf %get3A_48, %get3A_52 : vector<16xf32>
        %max3A = arith.constant 0.000000e+00 : f32
        %max3A_54 = vector.broadcast %max3A : f32 to vector<16xf32>
        %max3A_55 = arith.maximumf %add3A_53, %max3A_54 : vector<16xf32>
        %swap3A = arith.index_cast %scan3A_44 : i32 to index
        %swap3A_56 = arith.constant 0 : index
        %swap3A_57 = tpu.vector_load %arg9[%swap3A, %swap3A_56] {strides = array<i32>} : memref<80x128xf32, #tpu.memory_space<vmem>>, vector<1x16xf32>,
        %swap3A_58 = vector.shape_cast %swap3A_57 : vector<1x16xf32> to vector<16xf32>
        %swap3A_59 = vector.shape_cast %max3A_55 : vector<16xf32> to vector<1x16xf32>
        tpu.vector_store %arg9[%swap3A, %swap3A_56], %swap3A_59 {strides = array<i32>} : memref<80x128xf32, #tpu.memory_space<vmem>>, vector<1x16xf32>,
        %get3A_60 = arith.index_cast %scan3A_44 : i32 to index
        %get3A_61 = arith.constant 16 : index
        %get3A_62 = tpu.vector_load %arg9[%get3A_60, %get3A_61] {strides = array<i32>} : memref<80x128xf32, #tpu.memory_space<vmem>>, vector<1x16xf32>,
        %get3A_63 = vector.shape_cast %get3A_62 : vector<1x16xf32> to vector<16xf32>
        %get3A_64 = arith.index_cast %scan3A_44 : i32 to index
        %get3A_65 = arith.constant 16 : index
        %get3A_66 = tpu.vector_load %arg10[%get3A_64, %get3A_65] {strides = array<i32>} : memref<80x128xf32, #tpu.memory_space<vmem>>, vector<1x16xf32>,
        %get3A_67 = vector.shape_cast %get3A_66 : vector<1x16xf32> to vector<16xf32>
        %add3A_68 = arith.addf %get3A_63, %get3A_67 : vector<16xf32>
        %max3A_69 = arith.constant 0.000000e+00 : f32
        %max3A_70 = vector.broadcast %max3A_69 : f32 to vector<16xf32>
        %max3A_71 = arith.maximumf %add3A_68, %max3A_70 : vector<16xf32>
        %swap3A_72 = arith.index_cast %scan3A_44 : i32 to index
        %swap3A_73 = arith.constant 16 : index
        %swap3A_74 = tpu.vector_load %arg9[%swap3A_72, %swap3A_73] {strides = array<i32>} : memref<80x128xf32, #tpu.memory_space<vmem>>, vector<1x16xf32>,
        %swap3A_75 = vector.shape_cast %swap3A_74 : vector<1x16xf32> to vector<16xf32>
        %swap3A_76 = vector.shape_cast %max3A_71 : vector<16xf32> to vector<1x16xf32>
        tpu.vector_store %arg9[%swap3A_72, %swap3A_73], %swap3A_76 {strides = array<i32>} : memref<80x128xf32, #tpu.memory_space<vmem>>, vector<1x16xf32>,
        %get3A_77 = arith.index_cast %scan3A_44 : i32 to index
        %get3A_78 = arith.constant 32 : index
        %get3A_79 = tpu.vector_load %arg9[%get3A_77, %get3A_78] {strides = array<i32>} : memref<80x128xf32, #tpu.memory_space<vmem>>, vector<1x16xf32>,
        %get3A_80 = vector.shape_cast %get3A_79 : vector<1x16xf32> to vector<16xf32>
        %get3A_81 = arith.index_cast %scan3A_44 : i32 to index
        %get3A_82 = arith.constant 32 : index
        %get3A_83 = tpu.vector_load %arg10[%get3A_81, %get3A_82] {strides = array<i32>} : memref<80x128xf32, #tpu.memory_space<vmem>>, vector<1x16xf32>,
        %get3A_84 = vector.shape_cast %get3A_83 : vector<1x16xf32> to vector<16xf32>
        %add3A_85 = arith.addf %get3A_80, %get3A_84 : vector<16xf32>
        %max3A_86 = arith.constant 0.000000e+00 : f32
        %max3A_87 = vector.broadcast %max3A_86 : f32 to vector<16xf32>
        %max3A_88 = arith.maximumf %add3A_85, %max3A_87 : vector<16xf32>
        %swap3A_89 = arith.index_cast %scan3A_44 : i32 to index
        %swap3A_90 = arith.constant 32 : index
        %swap3A_91 = tpu.vector_load %arg9[%swap3A_89, %swap3A_90] {strides = array<i32>} : memref<80x128xf32, #tpu.memory_space<vmem>>, vector<1x16xf32>,
        %swap3A_92 = vector.shape_cast %swap3A_91 : vector<1x16xf32> to vector<16xf32>
        %swap3A_93 = vector.shape_cast %max3A_88 : vector<16xf32> to vector<1x16xf32>
        tpu.vector_store %arg9[%swap3A_89, %swap3A_90], %swap3A_93 {strides = array<i32>} : memref<80x128xf32, #tpu.memory_space<vmem>>, vector<1x16xf32>,
        %get3A_94 = arith.index_cast %scan3A_44 : i32 to index
        %get3A_95 = arith.constant 48 : index
        %get3A_96 = tpu.vector_load %arg9[%get3A_94, %get3A_95] {strides = array<i32>} : memref<80x128xf32, #tpu.memory_space<vmem>>, vector<1x16xf32>,
        %get3A_97 = vector.shape_cast %get3A_96 : vector<1x16xf32> to vector<16xf32>
        %get3A_98 = arith.index_cast %scan3A_44 : i32 to index
        %get3A_99 = arith.constant 48 : index
        %get3A_100 = tpu.vector_load %arg10[%get3A_98, %get3A_99] {strides = array<i32>} : memref<80x128xf32, #tpu.memory_space<vmem>>, vector<1x16xf32>,
        %get3A_101 = vector.shape_cast %get3A_100 : vector<1x16xf32> to vector<16xf32>
        %add3A_102 = arith.addf %get3A_97, %get3A_101 : vector<16xf32>
        %max3A_103 = arith.constant 0.000000e+00 : f32
        %max3A_104 = vector.broadcast %max3A_103 : f32 to vector<16xf32>
        %max3A_105 = arith.maximumf %add3A_102, %max3A_104 : vector<16xf32>
        %swap3A_106 = arith.index_cast %scan3A_44 : i32 to index
        %swap3A_107 = arith.constant 48 : index
        %swap3A_108 = tpu.vector_load %arg9[%swap3A_106, %swap3A_107] {strides = array<i32>} : memref<80x128xf32, #tpu.memory_space<vmem>>, vector<1x16xf32>,
        %swap3A_109 = vector.shape_cast %swap3A_108 : vector<1x16xf32> to vector<16xf32>
        %swap3A_110 = vector.shape_cast %max3A_105 : vector<16xf32> to vector<1x16xf32>
        tpu.vector_store %arg9[%swap3A_106, %swap3A_107], %swap3A_110 {strides = array<i32>} : memref<80x128xf32, #tpu.memory_space<vmem>>, vector<1x16xf32>,
        %get3A_111 = arith.index_cast %scan3A_44 : i32 to index
        %get3A_112 = arith.constant 64 : index
        %get3A_113 = tpu.vector_load %arg9[%get3A_111, %get3A_112] {strides = array<i32>} : memref<80x128xf32, #tpu.memory_space<vmem>>, vector<1x16xf32>,
        %get3A_114 = vector.shape_cast %get3A_113 : vector<1x16xf32> to vector<16xf32>
        %get3A_115 = arith.index_cast %scan3A_44 : i32 to index
        %get3A_116 = arith.constant 64 : index
        %get3A_117 = tpu.vector_load %arg10[%get3A_115, %get3A_116] {strides = array<i32>} : memref<80x128xf32, #tpu.memory_space<vmem>>, vector<1x16xf32>,
        %get3A_118 = vector.shape_cast %get3A_117 : vector<1x16xf32> to vector<16xf32>
        %add3A_119 = arith.addf %get3A_114, %get3A_118 : vector<16xf32>
        %max3A_120 = arith.constant 0.000000e+00 : f32
        %max3A_121 = vector.broadcast %max3A_120 : f32 to vector<16xf32>
        %max3A_122 = arith.maximumf %add3A_119, %max3A_121 : vector<16xf32>
        %swap3A_123 = arith.index_cast %scan3A_44 : i32 to index
        %swap3A_124 = arith.constant 64 : index
        %swap3A_125 = tpu.vector_load %arg9[%swap3A_123, %swap3A_124] {strides = array<i32>} : memref<80x128xf32, #tpu.memory_space<vmem>>, vector<1x16xf32>,
        %swap3A_126 = vector.shape_cast %swap3A_125 : vector<1x16xf32> to vector<16xf32>
        %swap3A_127 = vector.shape_cast %max3A_122 : vector<16xf32> to vector<1x16xf32>
        tpu.vector_store %arg9[%swap3A_123, %swap3A_124], %swap3A_127 {strides = array<i32>} : memref<80x128xf32, #tpu.memory_space<vmem>>, vector<1x16xf32>,
        %get3A_128 = arith.index_cast %scan3A_44 : i32 to index
        %get3A_129 = arith.constant 80 : index
        %get3A_130 = tpu.vector_load %arg9[%get3A_128, %get3A_129] {strides = array<i32>} : memref<80x128xf32, #tpu.memory_space<vmem>>, vector<1x16xf32>,
        %get3A_131 = vector.shape_cast %get3A_130 : vector<1x16xf32> to vector<16xf32>
        %get3A_132 = arith.index_cast %scan3A_44 : i32 to index
        %get3A_133 = arith.constant 80 : index
        %get3A_134 = tpu.vector_load %arg10[%get3A_132, %get3A_133] {strides = array<i32>} : memref<80x128xf32, #tpu.memory_space<vmem>>, vector<1x16xf32>,
        %get3A_135 = vector.shape_cast %get3A_134 : vector<1x16xf32> to vector<16xf32>
        %add3A_136 = arith.addf %get3A_131, %get3A_135 : vector<16xf32>
        %max3A_137 = arith.constant 0.000000e+00 : f32
        %max3A_138 = vector.broadcast %max3A_137 : f32 to vector<16xf32>
        %max3A_139 = arith.maximumf %add3A_136, %max3A_138 : vector<16xf32>
        %swap3A_140 = arith.index_cast %scan3A_44 : i32 to index
        %swap3A_141 = arith.constant 80 : index
        %swap3A_142 = tpu.vector_load %arg9[%swap3A_140, %swap3A_141] {strides = array<i32>} : memref<80x128xf32, #tpu.memory_space<vmem>>, vector<1x16xf32>,
        %swap3A_143 = vector.shape_cast %swap3A_142 : vector<1x16xf32> to vector<16xf32>
        %swap3A_144 = vector.shape_cast %max3A_139 : vector<16xf32> to vector<1x16xf32>
        tpu.vector_store %arg9[%swap3A_140, %swap3A_141], %swap3A_144 {strides = array<i32>} : memref<80x128xf32, #tpu.memory_space<vmem>>, vector<1x16xf32>,
        %get3A_145 = arith.index_cast %scan3A_44 : i32 to index
        %get3A_146 = arith.constant 96 : index
        %get3A_147 = tpu.vector_load %arg9[%get3A_145, %get3A_146] {strides = array<i32>} : memref<80x128xf32, #tpu.memory_space<vmem>>, vector<1x16xf32>,
        %get3A_148 = vector.shape_cast %get3A_147 : vector<1x16xf32> to vector<16xf32>
        %get3A_149 = arith.index_cast %scan3A_44 : i32 to index
        %get3A_150 = arith.constant 96 : index
        %get3A_151 = tpu.vector_load %arg10[%get3A_149, %get3A_150] {strides = array<i32>} : memref<80x128xf32, #tpu.memory_space<vmem>>, vector<1x16xf32>,
        %get3A_152 = vector.shape_cast %get3A_151 : vector<1x16xf32> to vector<16xf32>
        %add3A_153 = arith.addf %get3A_148, %get3A_152 : vector<16xf32>
        %max3A_154 = arith.constant 0.000000e+00 : f32
        %max3A_155 = vector.broadcast %max3A_154 : f32 to vector<16xf32>
        %max3A_156 = arith.maximumf %add3A_153, %max3A_155 : vector<16xf32>
        %swap3A_157 = arith.index_cast %scan3A_44 : i32 to index
        %swap3A_158 = arith.constant 96 : index
        %swap3A_159 = tpu.vector_load %arg9[%swap3A_157, %swap3A_158] {strides = array<i32>} : memref<80x128xf32, #tpu.memory_space<vmem>>, vector<1x16xf32>,
        %swap3A_160 = vector.shape_cast %swap3A_159 : vector<1x16xf32> to vector<16xf32>
        %swap3A_161 = vector.shape_cast %max3A_156 : vector<16xf32> to vector<1x16xf32>
        tpu.vector_store %arg9[%swap3A_157, %swap3A_158], %swap3A_161 {strides = array<i32>} : memref<80x128xf32, #tpu.memory_space<vmem>>, vector<1x16xf32>,
        %get3A_162 = arith.index_cast %scan3A_44 : i32 to index
        %get3A_163 = arith.constant 112 : index
        %get3A_164 = tpu.vector_load %arg9[%get3A_162, %get3A_163] {strides = array<i32>} : memref<80x128xf32, #tpu.memory_space<vmem>>, vector<1x16xf32>,
        %get3A_165 = vector.shape_cast %get3A_164 : vector<1x16xf32> to vector<16xf32>
        %get3A_166 = arith.index_cast %scan3A_44 : i32 to index
        %get3A_167 = arith.constant 112 : index
        %get3A_168 = tpu.vector_load %arg10[%get3A_166, %get3A_167] {strides = array<i32>} : memref<80x128xf32, #tpu.memory_space<vmem>>, vector<1x16xf32>,
        %get3A_169 = vector.shape_cast %get3A_168 : vector<1x16xf32> to vector<16xf32>
        %add3A_170 = arith.addf %get3A_165, %get3A_169 : vector<16xf32>
        %max3A_171 = arith.constant 0.000000e+00 : f32
        %max3A_172 = vector.broadcast %max3A_171 : f32 to vector<16xf32>
        %max3A_173 = arith.maximumf %add3A_170, %max3A_172 : vector<16xf32>
        %swap3A_174 = arith.index_cast %scan3A_44 : i32 to index
        %swap3A_175 = arith.constant 112 : index
        %swap3A_176 = tpu.vector_load %arg9[%swap3A_174, %swap3A_175] {strides = array<i32>} : memref<80x128xf32, #tpu.memory_space<vmem>>, vector<1x16xf32>,
        %swap3A_177 = vector.shape_cast %swap3A_176 : vector<1x16xf32> to vector<16xf32>
        %swap3A_178 = vector.shape_cast %max3A_173 : vector<16xf32> to vector<1x16xf32>
        tpu.vector_store %arg9[%swap3A_174, %swap3A_175], %swap3A_178 {strides = array<i32>} : memref<80x128xf32, #tpu.memory_space<vmem>>, vector<1x16xf32>,
        %scan3A_179 = arith.constant 0 : i32
        scf.yield %scan3A_179 : i32
      }
      %scan3A_37 = arith.constant 80 : i32
      %mul3A_38 = arith.constant 10000 : i32
      %mul3A_39 = arith.muli %add3A, %mul3A_38 : i32
      %mul3A_40 = arith.constant 80 : i32
      %mul3A_41 = arith.muli %scan3A_7, %mul3A_40 : i32
      %add3A_42 = arith.addi %mul3A_39, %mul3A_41 : i32
      "tpu.region"() ({
        %run_scoped3A = tpu.sem_alloc : memref<!tpu.dma_semaphore, #tpu.memory_space<semaphore_mem>>
        %dma_start3A_44 = arith.constant 0 : i32
        %dma_start3A_45 = tpu.memref_slice %arg6[%add3A_42, %dma_start3A_44] : memref<320000x128xf32, #tpu.memory_space<hbm>> -> memref<80x128xf32, #tpu.memory_space<hbm>>
        %dma_start3A_46 = arith.constant 0 : i32
        %dma_start3A_47 = tpu.memref_slice %arg6[%add3A_42, %dma_start3A_46] : memref<320000x128xf32, #tpu.memory_space<hbm>> -> memref<80x128xf32, #tpu.memory_space<hbm>>
        tpu.enqueue_dma source(%arg9 : memref<80x128xf32, #tpu.memory_space<vmem>>) target(%dma_start3A_47 : memref<80x128xf32, #tpu.memory_space<hbm>>) target_semaphore(%run_scoped3A : memref<!tpu.dma_semaphore, #tpu.memory_space<semaphore_mem>>)
        %dma_wait3A_48 = arith.constant 0 : i32
        %dma_wait3A_49 = tpu.memref_slice %arg6[%add3A_42, %dma_wait3A_48] : memref<320000x128xf32, #tpu.memory_space<hbm>> -> memref<80x128xf32, #tpu.memory_space<hbm>>
        %dma_wait3A_50 = arith.constant 0 : i32
        %dma_wait3A_51 = tpu.memref_slice %arg6[%add3A_42, %dma_wait3A_50] : memref<320000x128xf32, #tpu.memory_space<hbm>> -> memref<80x128xf32, #tpu.memory_space<hbm>>
        tpu.wait_dma2 semaphore(%run_scoped3A : memref<!tpu.dma_semaphore, #tpu.memory_space<semaphore_mem>>) src(%arg9 : memref<80x128xf32, #tpu.memory_space<vmem>>) dst(%dma_wait3A_51 : memref<80x128xf32, #tpu.memory_space<hbm>>)
        tpu.yield
      }) : () -> ()
      %scan3A_43 = arith.constant 0 : i32
      scf.yield %scan3A_43 : i32
    }
    %scan3A_6 = arith.constant 125 : i32
    return
  }
}

module attributes {stable_mosaic.version = 14 : i64} {
  func.func @_tc1_body(%arg0: i32, %arg1: memref<512x128xf32, #tpu.memory_space<vmem>>, %arg2: memref<128x128xf32, #tpu.memory_space<vmem>>, %arg3: memref<512x1xf32, #tpu.memory_space<vmem>>, %arg4: memref<512x128xf32, #tpu.memory_space<vmem>>) attributes {dimension_semantics = [#tpu.dimension_semantics<arbitrary>], iteration_bounds = array<i64: 20>, scalar_prefetch = 0 : i64, scratch_operands = 0 : i64, tpu.core_type = #tpu.core_type<tc>, window_params = [{transform_indices = @transform_0, window_bounds = array<i64: 512, 128>}, {pipeline_mode = #tpu.pipeline_mode<synchronous>, transform_indices = @transform_1, window_bounds = array<i64: 128, 128>}, {transform_indices = @transform_2, window_bounds = array<i64: 512, 1>}, {transform_indices = @transform_3, window_bounds = array<i64: 512, 128>}]} {
    %get3A = arith.constant 0 : index
    %get3A_0 = arith.constant 0 : index
    %get3A_1 = vector.load %arg3[%get3A, %get3A_0] : memref<512x1xf32, #tpu.memory_space<vmem>>, vector<512x1xf32>
    %add3A = arith.constant 1.000000e+00 : f32
    %add3A_2 = vector.broadcast %add3A : f32 to vector<512x1xf32>
    %add3A_3 = arith.addf %add3A_2, %get3A_1 : vector<512x1xf32>
    %rsqrt3A = math.rsqrt %add3A_3 : vector<512x1xf32>
    %get3A_4 = arith.constant 0 : index
    %get3A_5 = arith.constant 0 : index
    %get3A_6 = vector.load %arg1[%get3A_4, %get3A_5] : memref<512x128xf32, #tpu.memory_space<vmem>>, vector<512x128xf32>
    %get3A_7 = arith.constant 0 : index
    %get3A_8 = arith.constant 0 : index
    %get3A_9 = vector.load %arg2[%get3A_7, %get3A_8] : memref<128x128xf32, #tpu.memory_space<vmem>>, vector<128x128xf32>
    %dot_general3A = arith.constant dense<0.000000e+00> : vector<512x128xf32>
    %dot_general3A_10 = tpu.matmul %get3A_6, %get3A_9, %dot_general3A {dimension_numbers = #tpu.dot_dimension_numbers<[1], [0], [0], [1], [0, 0, 1, 1], [], []>, transpose_lhs_hint = false} : vector<512x128xf32>, vector<128x128xf32>, vector<512x128xf32> -> vector<512x128xf32>
    %mul3A = vector.broadcast %rsqrt3A : vector<512x1xf32> to vector<512x128xf32>
    %mul3A_11 = arith.mulf %mul3A, %dot_general3A_10 : vector<512x128xf32>
    %swap3A = arith.constant 0 : index
    %swap3A_12 = arith.constant 0 : index
    %swap3A_13 = vector.load %arg4[%swap3A, %swap3A_12] : memref<512x128xf32, #tpu.memory_space<vmem>>, vector<512x128xf32>
    tpu.vector_store %arg4[%swap3A, %swap3A_12], %mul3A_11 {strides = array<i32>} : memref<512x128xf32, #tpu.memory_space<vmem>>, vector<512x128xf32>,
    return
  }
  func.func @transform_0(%arg0: i32) -> (i32, i32) {
    %c0_i32 = arith.constant 0 : i32
    %c0_i32_0 = arith.constant 0 : i32
    return %arg0, %c0_i32 : i32, i32
  }
  func.func @transform_1(%arg0: i32) -> (i32, i32) {
    %c0_i32 = arith.constant 0 : i32
    %c0_i32_0 = arith.constant 0 : i32
    %c0_i32_1 = arith.constant 0 : i32
    return %c0_i32, %c0_i32_0 : i32, i32
  }
  func.func @transform_2(%arg0: i32) -> (i32, i32) {
    %c0_i32 = arith.constant 0 : i32
    %c0_i32_0 = arith.constant 0 : i32
    return %arg0, %c0_i32 : i32, i32
  }
  func.func @transform_3(%arg0: i32) -> (i32, i32) {
    %c0_i32 = arith.constant 0 : i32
    %c0_i32_0 = arith.constant 0 : i32
    return %arg0, %c0_i32 : i32, i32
  }
}

module attributes {stable_mosaic.version = 14 : i64} {
  func.func @_tc2_body(%arg0: i32, %arg1: memref<512x128xf32, #tpu.memory_space<vmem>>, %arg2: memref<512x128xf32, #tpu.memory_space<vmem>>, %arg3: memref<512x128xf32, #tpu.memory_space<vmem>>, %arg4: memref<512x1xf32, #tpu.memory_space<vmem>>, %arg5: memref<1x128xf32, #tpu.memory_space<vmem>>, %arg6: memref<128x128xf32, #tpu.memory_space<vmem>>, %arg7: memref<512x128xf32, #tpu.memory_space<vmem>>) attributes {dimension_semantics = [#tpu.dimension_semantics<arbitrary>], iteration_bounds = array<i64: 20>, scalar_prefetch = 0 : i64, scratch_operands = 0 : i64, tpu.core_type = #tpu.core_type<tc>, window_params = [{transform_indices = @transform_0, window_bounds = array<i64: 512, 128>}, {transform_indices = @transform_1, window_bounds = array<i64: 512, 128>}, {transform_indices = @transform_2, window_bounds = array<i64: 512, 128>}, {transform_indices = @transform_3, window_bounds = array<i64: 512, 1>}, {pipeline_mode = #tpu.pipeline_mode<synchronous>, transform_indices = @transform_4, window_bounds = array<i64: 1, 128>}, {pipeline_mode = #tpu.pipeline_mode<synchronous>, transform_indices = @transform_5, window_bounds = array<i64: 128, 128>}, {transform_indices = @transform_6, window_bounds = array<i64: 512, 128>}]} {
    %get3A = arith.constant 0 : index
    %get3A_0 = arith.constant 0 : index
    %get3A_1 = vector.load %arg4[%get3A, %get3A_0] : memref<512x1xf32, #tpu.memory_space<vmem>>, vector<512x1xf32>
    %add3A = arith.constant 1.000000e+00 : f32
    %add3A_2 = vector.broadcast %add3A : f32 to vector<512x1xf32>
    %add3A_3 = arith.addf %add3A_2, %get3A_1 : vector<512x1xf32>
    %rsqrt3A = math.rsqrt %add3A_3 : vector<512x1xf32>
    %get3A_4 = arith.constant 0 : index
    %get3A_5 = arith.constant 0 : index
    %get3A_6 = vector.load %arg1[%get3A_4, %get3A_5] : memref<512x128xf32, #tpu.memory_space<vmem>>, vector<512x128xf32>
    %get3A_7 = arith.constant 0 : index
    %get3A_8 = arith.constant 0 : index
    %get3A_9 = vector.load %arg2[%get3A_7, %get3A_8] : memref<512x128xf32, #tpu.memory_space<vmem>>, vector<512x128xf32>
    %add3A_10 = arith.addf %get3A_6, %get3A_9 : vector<512x128xf32>
    %get3A_11 = arith.constant 0 : index
    %get3A_12 = arith.constant 0 : index
    %get3A_13 = vector.load %arg3[%get3A_11, %get3A_12] : memref<512x128xf32, #tpu.memory_space<vmem>>, vector<512x128xf32>
    %add3A_14 = arith.addf %add3A_10, %get3A_13 : vector<512x128xf32>
    %mul3A = vector.broadcast %rsqrt3A : vector<512x1xf32> to vector<512x128xf32>
    %mul3A_15 = arith.mulf %mul3A, %add3A_14 : vector<512x128xf32>
    %get3A_16 = arith.constant 0 : index
    %get3A_17 = arith.constant 0 : index
    %get3A_18 = vector.load %arg5[%get3A_16, %get3A_17] : memref<1x128xf32, #tpu.memory_space<vmem>>, vector<1x128xf32>
    %add3A_19 = vector.broadcast %get3A_18 : vector<1x128xf32> to vector<512x128xf32>
    %add3A_20 = arith.addf %mul3A_15, %add3A_19 : vector<512x128xf32>
    %max3A = arith.constant 0.000000e+00 : f32
    %max3A_21 = vector.broadcast %max3A : f32 to vector<512x128xf32>
    %max3A_22 = arith.maximumf %add3A_20, %max3A_21 : vector<512x128xf32>
    %get3A_23 = arith.constant 0 : index
    %get3A_24 = arith.constant 0 : index
    %get3A_25 = vector.load %arg6[%get3A_23, %get3A_24] : memref<128x128xf32, #tpu.memory_space<vmem>>, vector<128x128xf32>
    %dot_general3A = arith.constant dense<0.000000e+00> : vector<512x128xf32>
    %dot_general3A_26 = tpu.matmul %max3A_22, %get3A_25, %dot_general3A {dimension_numbers = #tpu.dot_dimension_numbers<[1], [0], [0], [1], [0, 0, 1, 1], [], []>, transpose_lhs_hint = false} : vector<512x128xf32>, vector<128x128xf32>, vector<512x128xf32> -> vector<512x128xf32>
    %mul3A_27 = vector.broadcast %rsqrt3A : vector<512x1xf32> to vector<512x128xf32>
    %mul3A_28 = arith.mulf %mul3A_27, %dot_general3A_26 : vector<512x128xf32>
    %swap3A = arith.constant 0 : index
    %swap3A_29 = arith.constant 0 : index
    %swap3A_30 = vector.load %arg7[%swap3A, %swap3A_29] : memref<512x128xf32, #tpu.memory_space<vmem>>, vector<512x128xf32>
    tpu.vector_store %arg7[%swap3A, %swap3A_29], %mul3A_28 {strides = array<i32>} : memref<512x128xf32, #tpu.memory_space<vmem>>, vector<512x128xf32>,
    return
  }
  func.func @transform_0(%arg0: i32) -> (i32, i32) {
    %c0_i32 = arith.constant 0 : i32
    %c0_i32_0 = arith.constant 0 : i32
    return %arg0, %c0_i32 : i32, i32
  }
  func.func @transform_1(%arg0: i32) -> (i32, i32) {
    %c0_i32 = arith.constant 0 : i32
    %c0_i32_0 = arith.constant 0 : i32
    return %arg0, %c0_i32 : i32, i32
  }
  func.func @transform_2(%arg0: i32) -> (i32, i32) {
    %c0_i32 = arith.constant 0 : i32
    %c0_i32_0 = arith.constant 0 : i32
    return %arg0, %c0_i32 : i32, i32
  }
  func.func @transform_3(%arg0: i32) -> (i32, i32) {
    %c0_i32 = arith.constant 0 : i32
    %c0_i32_0 = arith.constant 0 : i32
    return %arg0, %c0_i32 : i32, i32
  }
  func.func @transform_4(%arg0: i32) -> (i32, i32) {
    %c0_i32 = arith.constant 0 : i32
    %c0_i32_0 = arith.constant 0 : i32
    %c0_i32_1 = arith.constant 0 : i32
    return %c0_i32, %c0_i32_0 : i32, i32
  }
  func.func @transform_5(%arg0: i32) -> (i32, i32) {
    %c0_i32 = arith.constant 0 : i32
    %c0_i32_0 = arith.constant 0 : i32
    %c0_i32_1 = arith.constant 0 : i32
    return %c0_i32, %c0_i32_0 : i32, i32
  }
  func.func @transform_6(%arg0: i32) -> (i32, i32) {
    %c0_i32 = arith.constant 0 : i32
    %c0_i32_0 = arith.constant 0 : i32
    return %arg0, %c0_i32 : i32, i32
  }
}

module attributes {stable_mosaic.version = 14 : i64} {
  func.func @_tc3_body(%arg0: i32, %arg1: memref<512x128xf32, #tpu.memory_space<vmem>>, %arg2: memref<512x128xf32, #tpu.memory_space<vmem>>, %arg3: memref<512x128xf32, #tpu.memory_space<vmem>>, %arg4: memref<512x1xf32, #tpu.memory_space<vmem>>, %arg5: memref<1x128xf32, #tpu.memory_space<vmem>>, %arg6: memref<128x128xf32, #tpu.memory_space<vmem>>, %arg7: memref<128x128xf32, #tpu.memory_space<vmem>>, %arg8: memref<1x128xf32, #tpu.memory_space<vmem>>, %arg9: memref<512x128xf32, #tpu.memory_space<vmem>>, %arg10: memref<512x128xf32, #tpu.memory_space<vmem>>) attributes {dimension_semantics = [#tpu.dimension_semantics<arbitrary>], iteration_bounds = array<i64: 20>, scalar_prefetch = 0 : i64, scratch_operands = 0 : i64, tpu.core_type = #tpu.core_type<tc>, window_params = [{transform_indices = @transform_0, window_bounds = array<i64: 512, 128>}, {transform_indices = @transform_1, window_bounds = array<i64: 512, 128>}, {transform_indices = @transform_2, window_bounds = array<i64: 512, 128>}, {transform_indices = @transform_3, window_bounds = array<i64: 512, 1>}, {pipeline_mode = #tpu.pipeline_mode<synchronous>, transform_indices = @transform_4, window_bounds = array<i64: 1, 128>}, {pipeline_mode = #tpu.pipeline_mode<synchronous>, transform_indices = @transform_5, window_bounds = array<i64: 128, 128>}, {pipeline_mode = #tpu.pipeline_mode<synchronous>, transform_indices = @transform_6, window_bounds = array<i64: 128, 128>}, {pipeline_mode = #tpu.pipeline_mode<synchronous>, transform_indices = @transform_7, window_bounds = array<i64: 1, 128>}, {transform_indices = @transform_8, window_bounds = array<i64: 512, 128>}, {transform_indices = @transform_9, window_bounds = array<i64: 512, 128>}]} {
    %get3A = arith.constant 0 : index
    %get3A_0 = arith.constant 0 : index
    %get3A_1 = vector.load %arg4[%get3A, %get3A_0] : memref<512x1xf32, #tpu.memory_space<vmem>>, vector<512x1xf32>
    %add3A = arith.constant 1.000000e+00 : f32
    %add3A_2 = vector.broadcast %add3A : f32 to vector<512x1xf32>
    %add3A_3 = arith.addf %add3A_2, %get3A_1 : vector<512x1xf32>
    %rsqrt3A = math.rsqrt %add3A_3 : vector<512x1xf32>
    %get3A_4 = arith.constant 0 : index
    %get3A_5 = arith.constant 0 : index
    %get3A_6 = vector.load %arg1[%get3A_4, %get3A_5] : memref<512x128xf32, #tpu.memory_space<vmem>>, vector<512x128xf32>
    %get3A_7 = arith.constant 0 : index
    %get3A_8 = arith.constant 0 : index
    %get3A_9 = vector.load %arg2[%get3A_7, %get3A_8] : memref<512x128xf32, #tpu.memory_space<vmem>>, vector<512x128xf32>
    %add3A_10 = arith.addf %get3A_6, %get3A_9 : vector<512x128xf32>
    %get3A_11 = arith.constant 0 : index
    %get3A_12 = arith.constant 0 : index
    %get3A_13 = vector.load %arg3[%get3A_11, %get3A_12] : memref<512x128xf32, #tpu.memory_space<vmem>>, vector<512x128xf32>
    %add3A_14 = arith.addf %add3A_10, %get3A_13 : vector<512x128xf32>
    %mul3A = vector.broadcast %rsqrt3A : vector<512x1xf32> to vector<512x128xf32>
    %mul3A_15 = arith.mulf %mul3A, %add3A_14 : vector<512x128xf32>
    %get3A_16 = arith.constant 0 : index
    %get3A_17 = arith.constant 0 : index
    %get3A_18 = vector.load %arg5[%get3A_16, %get3A_17] : memref<1x128xf32, #tpu.memory_space<vmem>>, vector<1x128xf32>
    %add3A_19 = vector.broadcast %get3A_18 : vector<1x128xf32> to vector<512x128xf32>
    %add3A_20 = arith.addf %mul3A_15, %add3A_19 : vector<512x128xf32>
    %max3A = arith.constant 0.000000e+00 : f32
    %max3A_21 = vector.broadcast %max3A : f32 to vector<512x128xf32>
    %max3A_22 = arith.maximumf %add3A_20, %max3A_21 : vector<512x128xf32>
    %get3A_23 = arith.constant 0 : index
    %get3A_24 = arith.constant 0 : index
    %get3A_25 = vector.load %arg6[%get3A_23, %get3A_24] : memref<128x128xf32, #tpu.memory_space<vmem>>, vector<128x128xf32>
    %dot_general3A = arith.constant dense<0.000000e+00> : vector<512x128xf32>
    %dot_general3A_26 = tpu.matmul %max3A_22, %get3A_25, %dot_general3A {dimension_numbers = #tpu.dot_dimension_numbers<[1], [0], [0], [1], [0, 0, 1, 1], [], []>, transpose_lhs_hint = false} : vector<512x128xf32>, vector<128x128xf32>, vector<512x128xf32> -> vector<512x128xf32>
    %get3A_27 = arith.constant 0 : index
    %get3A_28 = arith.constant 0 : index
    %get3A_29 = vector.load %arg8[%get3A_27, %get3A_28] : memref<1x128xf32, #tpu.memory_space<vmem>>, vector<1x128xf32>
    %add3A_30 = vector.broadcast %get3A_29 : vector<1x128xf32> to vector<512x128xf32>
    %add3A_31 = arith.addf %dot_general3A_26, %add3A_30 : vector<512x128xf32>
    %swap3A = arith.constant 0 : index
    %swap3A_32 = arith.constant 0 : index
    %swap3A_33 = vector.load %arg9[%swap3A, %swap3A_32] : memref<512x128xf32, #tpu.memory_space<vmem>>, vector<512x128xf32>
    tpu.vector_store %arg9[%swap3A, %swap3A_32], %add3A_31 {strides = array<i32>} : memref<512x128xf32, #tpu.memory_space<vmem>>, vector<512x128xf32>,
    %get3A_34 = arith.constant 0 : index
    %get3A_35 = arith.constant 0 : index
    %get3A_36 = vector.load %arg7[%get3A_34, %get3A_35] : memref<128x128xf32, #tpu.memory_space<vmem>>, vector<128x128xf32>
    %dot_general3A_37 = arith.constant dense<0.000000e+00> : vector<512x128xf32>
    %dot_general3A_38 = tpu.matmul %max3A_22, %get3A_36, %dot_general3A_37 {dimension_numbers = #tpu.dot_dimension_numbers<[1], [0], [0], [1], [0, 0, 1, 1], [], []>, transpose_lhs_hint = false} : vector<512x128xf32>, vector<128x128xf32>, vector<512x128xf32> -> vector<512x128xf32>
    %swap3A_39 = arith.constant 0 : index
    %swap3A_40 = arith.constant 0 : index
    %swap3A_41 = vector.load %arg10[%swap3A_39, %swap3A_40] : memref<512x128xf32, #tpu.memory_space<vmem>>, vector<512x128xf32>
    tpu.vector_store %arg10[%swap3A_39, %swap3A_40], %dot_general3A_38 {strides = array<i32>} : memref<512x128xf32, #tpu.memory_space<vmem>>, vector<512x128xf32>,
    return
  }
  func.func @transform_0(%arg0: i32) -> (i32, i32) {
    %c0_i32 = arith.constant 0 : i32
    %c0_i32_0 = arith.constant 0 : i32
    return %arg0, %c0_i32 : i32, i32
  }
  func.func @transform_1(%arg0: i32) -> (i32, i32) {
    %c0_i32 = arith.constant 0 : i32
    %c0_i32_0 = arith.constant 0 : i32
    return %arg0, %c0_i32 : i32, i32
  }
  func.func @transform_2(%arg0: i32) -> (i32, i32) {
    %c0_i32 = arith.constant 0 : i32
    %c0_i32_0 = arith.constant 0 : i32
    return %arg0, %c0_i32 : i32, i32
  }
  func.func @transform_3(%arg0: i32) -> (i32, i32) {
    %c0_i32 = arith.constant 0 : i32
    %c0_i32_0 = arith.constant 0 : i32
    return %arg0, %c0_i32 : i32, i32
  }
  func.func @transform_4(%arg0: i32) -> (i32, i32) {
    %c0_i32 = arith.constant 0 : i32
    %c0_i32_0 = arith.constant 0 : i32
    %c0_i32_1 = arith.constant 0 : i32
    return %c0_i32, %c0_i32_0 : i32, i32
  }
  func.func @transform_5(%arg0: i32) -> (i32, i32) {
    %c0_i32 = arith.constant 0 : i32
    %c0_i32_0 = arith.constant 0 : i32
    %c0_i32_1 = arith.constant 0 : i32
    return %c0_i32, %c0_i32_0 : i32, i32
  }
  func.func @transform_6(%arg0: i32) -> (i32, i32) {
    %c0_i32 = arith.constant 0 : i32
    %c0_i32_0 = arith.constant 0 : i32
    %c0_i32_1 = arith.constant 0 : i32
    return %c0_i32, %c0_i32_0 : i32, i32
  }
  func.func @transform_7(%arg0: i32) -> (i32, i32) {
    %c0_i32 = arith.constant 0 : i32
    %c0_i32_0 = arith.constant 0 : i32
    %c0_i32_1 = arith.constant 0 : i32
    return %c0_i32, %c0_i32_0 : i32, i32
  }
  func.func @transform_8(%arg0: i32) -> (i32, i32) {
    %c0_i32 = arith.constant 0 : i32
    %c0_i32_0 = arith.constant 0 : i32
    return %arg0, %c0_i32 : i32, i32
  }
  func.func @transform_9(%arg0: i32) -> (i32, i32) {
    %c0_i32 = arith.constant 0 : i32
    %c0_i32_0 = arith.constant 0 : i32
    return %arg0, %c0_i32 : i32, i32
  }
}

module attributes {stable_mosaic.version = 14 : i64} {
  func.func @_tc4_body(%arg0: i32, %arg1: memref<2000x128xf32, #tpu.memory_space<vmem>>, %arg2: memref<128x64xf32, #tpu.memory_space<vmem>>, %arg3: memref<1x64xf32, #tpu.memory_space<vmem>>, %arg4: memref<2000x64xf32, #tpu.memory_space<vmem>>) attributes {dimension_semantics = [#tpu.dimension_semantics<arbitrary>], iteration_bounds = array<i64: 160>, scalar_prefetch = 0 : i64, scratch_operands = 0 : i64, tpu.core_type = #tpu.core_type<tc>, window_params = [{transform_indices = @transform_0, window_bounds = array<i64: 2000, 128>}, {pipeline_mode = #tpu.pipeline_mode<synchronous>, transform_indices = @transform_1, window_bounds = array<i64: 128, 64>}, {pipeline_mode = #tpu.pipeline_mode<synchronous>, transform_indices = @transform_2, window_bounds = array<i64: 1, 64>}, {transform_indices = @transform_3, window_bounds = array<i64: 2000, 64>}]} {
    %get3A = arith.constant 0 : index
    %get3A_0 = arith.constant 0 : index
    %get3A_1 = vector.load %arg1[%get3A, %get3A_0] : memref<2000x128xf32, #tpu.memory_space<vmem>>, vector<2000x128xf32>
    %get3A_2 = arith.constant 0 : index
    %get3A_3 = arith.constant 0 : index
    %get3A_4 = vector.load %arg2[%get3A_2, %get3A_3] : memref<128x64xf32, #tpu.memory_space<vmem>>, vector<128x64xf32>
    %dot_general3A = arith.constant dense<0.000000e+00> : vector<2000x64xf32>
    %dot_general3A_5 = tpu.matmul %get3A_1, %get3A_4, %dot_general3A {dimension_numbers = #tpu.dot_dimension_numbers<[1], [0], [0], [1], [0, 0, 1, 1], [], []>, transpose_lhs_hint = false} : vector<2000x128xf32>, vector<128x64xf32>, vector<2000x64xf32> -> vector<2000x64xf32>
    %get3A_6 = arith.constant 0 : index
    %get3A_7 = arith.constant 0 : index
    %get3A_8 = vector.load %arg3[%get3A_6, %get3A_7] : memref<1x64xf32, #tpu.memory_space<vmem>>, vector<1x64xf32>
    %add3A = vector.broadcast %get3A_8 : vector<1x64xf32> to vector<2000x64xf32>
    %add3A_9 = arith.addf %dot_general3A_5, %add3A : vector<2000x64xf32>
    %swap3A = arith.constant 0 : index
    %swap3A_10 = arith.constant 0 : index
    %swap3A_11 = vector.load %arg4[%swap3A, %swap3A_10] : memref<2000x64xf32, #tpu.memory_space<vmem>>, vector<2000x64xf32>
    tpu.vector_store %arg4[%swap3A, %swap3A_10], %add3A_9 {strides = array<i32>} : memref<2000x64xf32, #tpu.memory_space<vmem>>, vector<2000x64xf32>,
    return
  }
  func.func @transform_0(%arg0: i32) -> (i32, i32) {
    %c0_i32 = arith.constant 0 : i32
    %c0_i32_0 = arith.constant 0 : i32
    return %arg0, %c0_i32 : i32, i32
  }
  func.func @transform_1(%arg0: i32) -> (i32, i32) {
    %c0_i32 = arith.constant 0 : i32
    %c0_i32_0 = arith.constant 0 : i32
    %c0_i32_1 = arith.constant 0 : i32
    return %c0_i32, %c0_i32_0 : i32, i32
  }
  func.func @transform_2(%arg0: i32) -> (i32, i32) {
    %c0_i32 = arith.constant 0 : i32
    %c0_i32_0 = arith.constant 0 : i32
    %c0_i32_1 = arith.constant 0 : i32
    return %c0_i32, %c0_i32_0 : i32, i32
  }
  func.func @transform_3(%arg0: i32) -> (i32, i32) {
    %c0_i32 = arith.constant 0 : i32
    %c0_i32_0 = arith.constant 0 : i32
    return %arg0, %c0_i32 : i32, i32
  }
}

</mosaic_0001>

<sc_bundles>
// kernel: kernel.10.cloned.1.call-start
scs
__scs_entry_jumppad:
0x0: {  	(pc) =	sbr.rel $0x88, $3  }
0x1: {  	(tag) =	ssettag $0x0;
	lr =	simm.s32 $0x1  }
0x2: {  	[smem:$0x3F97] =	sst lr;
	_ =	strace $0xD0000000  }
0x3: {  	_ = 	snop  }
0x4: {  	_ = 	snop  }
0x5: {  	_ = 	snop  }
0x6: {  	_ = 	snop  }
0x7: {  	_ = 	snop  }
__scs_overlays_trampoline_lowered:
0x8: {  	[smem:$0x3FA6] =	sst s0  }
0x9: {  	[smem:$0x3FA7] =	sst s1  }
0xa: {  	[smem:$0x3FA8] =	sst s2  }
0xb: {  	[smem:$0x3FA9] =	sst s3  }
0xc: {  	[smem:$0x3FAA] =	sst s4  }
0xd: {  	[smem:$0x3FAB] =	sst s5  }
0xe: {  	[smem:$0x3FAC] =	sst s6  }
0xf: {  	[smem:$0x3FAD] =	sst s7  }
0x10: {  	[smem:$0x3FAE] =	sst s8  }
0x11: {  	[smem:$0x3FAF] =	sst s9;
	s0 =	simm.s32 @!p0 $0x0  }
0x12: {  	s1 =	sld [smem:$0x3F95];
	s0 =	simm.s32 @p0 $0x1  }
0x13: {  	[smem:$0x3FB0] =	sst s0;
	s0 =	simm.s32 @!p1 $0x0  }
0x14: {  	s2 =	sld [smem:$0x3F94];
	s0 =	simm.s32 @p1 $0x1  }
0x15: {  	[smem:$0x3FB1] =	sst s0;
	s0 =	simm.s32 @!p2 $0x0  }
0x16: {  	s3 =	sld [smem:$0x3FDB];
	s0 =	simm.s32 @p2 $0x1  }
0x17: {  	s4 =	simm.s32 $0x1BF5;
	[smem:$0x3FB3] =	sst s0  }
0x18: {  	s0 =	sld [smem:$0x3F96];
	_ =	swait.ge [sflag:s4], $0x0  }
0x19: {  	s7 =	sld [smem:$0x3F97]  }
0x1a: {  	s8 =	sadd.s32 $0xFFFFE003, lr  }
0x1b: {  	s9 =	sadd.s32 $0xFFFFFEF7, lr;
	s5 =	simm.s32 $0xFFFFFFFF;
	p2 =	slt.u32 s8, $0xFFFFF086  }
0x1c: {  	p1 =	slt.u32 s9, $0xF7A;
	s5 =	simm.s32 @!p2 $0x0  }
0x1d: {  	s5 =	simm.s32 @p1 $0x1;
	p0 =	seq.s32 s7, s2  }
0x1e: {  	s7 =	smul.u32 @!p0 $0xF7A, s2;
	p2 =	seq.s32 @!p0 s5, $0x0  }
0x1f: {  	s9 =	smul.u32 $0xF7A, s1;
	s8 =	simm.s32 @!p0 $0x1BF5;
	p2 =	por !p2, p0  }
0x20: {  	[sflag:s8] =	ssyncset.s32 @!p0 $0xFFFFF086;
	s6 =	sadd.s32 @!p0 s3, s7;
	s7 =	simm.s32 @!p0 $0x108  }
0x21: {  	s3 =	sadd.s32 s3, s9;
	s6 =	sadd.s32 @!p0 $0x88, s6;
	s7 =	simm.s32 @p2 $0x1082  }
0x22: {  	[simem:s7], [sflag:s8] =	dma.local @!p0 [hbm:s6], $0xF7A  }
0x23: {  	s9 =	sor.u32 $0xD0000000, s2;
	s6 =	simm.s32 $0x108;
	_ =	swait.ge @!p0 [sflag:s8], $0x0  }
0x24: {  	s3 =	sadd.s32 $0x88, s3;
	s6 =	simm.s32 @!p1 $0x1082;
	[sflag:s4] =	ssyncset.s32 $0xFFFFF086  }
0x25: {  	[simem:s6], [sflag:s4] =	dma.local [hbm:s3], $0xF7A  }
0x26: {  	[smem:$0x3F97] =	sst s1;
	(tag) =	ssettag s2;
	_ =	strace s9  }
0x27: {  	s1 =	sld [smem:$0x3FA7]  }
0x28: {  	s2 =	sld [smem:$0x3FA8]  }
0x29: {  	s4 =	sld [smem:$0x3FAA]  }
0x2a: {  	p0 =	seq.s32 s5, $0x0;
	s5 =	sld [smem:$0x3FAB]  }
0x2b: {  	s6 =	sld [smem:$0x3FAC]  }
0x2c: {  	s7 =	sld [smem:$0x3FAD]  }
0x2d: {  	s3 =	simm.s32 $0x108;
	s8 =	sld [smem:$0x3FAE]  }
0x2e: {  	s3 =	simm.s32 @!p0 $0x1082;
	s9 =	sld [smem:$0x3FAF]  }
0x2f: {  	lr =	sadd.s32 s0, s3;
	s0 =	sld [smem:$0x3FA6]  }
0x30: {  	s3 =	sld [smem:$0x3FA9]  }
0x31: {  	[smem:$0x3FB2] =	sst s10  }
0x32: {  	s10 =	sld [smem:$0x3FB0];
	_ =	sdelay $0x3  }
0x33: {  	p0 =	seq.s32 s10, $0x1;
	s10 =	sld [smem:$0x3FB2];
	_ =	sdelay $0x3  }
0x34: {  	[smem:$0x3FB2] =	sst s10  }
0x35: {  	s10 =	sld [smem:$0x3FB1];
	_ =	sdelay $0x3  }
0x36: {  	p1 =	seq.s32 s10, $0x1;
	s10 =	sld [smem:$0x3FB2];
	_ =	sdelay $0x3  }
0x37: {  	[smem:$0x3FB2] =	sst s10  }
0x38: {  	s10 =	sld [smem:$0x3FB3]  }
0x39: {  	_ = 	snop;
	(pc) =	sbr.ind lr, $3  }
0x3a: {  	_ = 	snop  }
0x3b: {  	_ = 	snop  }
0x3c: {  	p2 =	seq.s32 s10, $0x1;
	s10 =	sld [smem:$0x3FB2]  }
0x3d: {  	_ =	shalt  }
0x3e: {  	_ =	shalt  }
0x3f: {  	_ =	shalt  }
0x40: {  	_ =	shalt  }
0x41: {  	_ =	shalt  }
0x42: {  	_ =	shalt  }
0x43: {  	_ =	shalt  }
0x44: {  	_ =	shalt  }
0x45: {  	_ =	shalt  }
0x46: {  	_ =	shalt  }
0x47: {  	_ =	shalt  }
0x48: {  	_ =	shalt  }
0x49: {  	_ =	shalt  }
0x4a: {  	_ =	shalt  }
0x4b: {  	_ =	shalt  }
0x4c: {  	_ =	shalt  }
0x4d: {  	_ =	shalt  }
0x4e: {  	_ =	shalt  }
0x4f: {  	_ =	shalt  }
0x50: {  	_ =	shalt  }
0x51: {  	_ =	shalt  }
0x52: {  	_ =	shalt  }
0x53: {  	_ =	shalt  }
0x54: {  	_ =	shalt  }
0x55: {  	_ =	shalt  }
0x56: {  	_ =	shalt  }
0x57: {  	_ =	shalt  }
0x58: {  	_ =	shalt  }
0x59: {  	_ =	shalt  }
0x5a: {  	_ =	shalt  }
0x5b: {  	_ =	shalt  }
0x5c: {  	_ =	shalt  }
0x5d: {  	_ =	shalt  }
0x5e: {  	_ =	shalt  }
0x5f: {  	_ =	shalt  }
0x60: {  	_ =	shalt  }
0x61: {  	_ =	shalt  }
0x62: {  	_ =	shalt  }
0x63: {  	_ =	shalt  }
0x64: {  	_ =	shalt  }
0x65: {  	_ =	shalt  }
0x66: {  	_ =	shalt  }
0x67: {  	_ =	shalt  }
0x68: {  	_ =	shalt  }
0x69: {  	_ =	shalt  }
0x6a: {  	_ =	shalt  }
0x6b: {  	_ =	shalt  }
0x6c: {  	_ =	shalt  }
0x6d: {  	_ =	shalt  }
0x6e: {  	_ =	shalt  }
0x6f: {  	_ =	shalt  }
0x70: {  	_ =	shalt  }
0x71: {  	_ =	shalt  }
0x72: {  	_ =	shalt  }
0x73: {  	_ =	shalt  }
0x74: {  	_ =	shalt  }
0x75: {  	_ =	shalt  }
0x76: {  	_ =	shalt  }
0x77: {  	_ =	shalt  }
0x78: {  	_ =	shalt  }
0x79: {  	_ =	shalt  }
0x7a: {  	_ =	shalt  }
0x7b: {  	_ =	shalt  }
0x7c: {  	_ =	shalt  }
0x7d: {  	_ =	shalt  }
0x7e: {  	_ =	shalt  }
0x7f: {  	_ =	shalt  }
0x80: {  	_ =	shalt  }
0x81: {  	_ =	shalt  }
0x82: {  	_ =	shalt  }
0x83: {  	_ =	shalt  }
0x84: {  	_ =	shalt  }
0x85: {  	_ =	shalt  }
0x86: {  	_ =	shalt  }
0x87: {  	_ =	shalt  }
.Lfunc_end0:
.L_simem_size_0:
called_computation_lowered:
.L_overlay_start_0:
0x88: {  	s2 =	sld [smem:$0x3FD9]  }
0x89: {  	s3 =	sld [smem:$0x3FFE];
	_ =	sdelay $0x1  }
0x8a: {  	s1 =	srdreg.scid  }
0x8b: {  	s0 =	sand.u32 $0x1, s1  }
0x8c: {  	s17 =	sshll.u32 s0, $0xA;
	s2 =	sadd.s32 s3, s2  }
0x8d: {  	s2 =	sadd.s32 s2, s17  }
0x8e: {  	[smem:$0x3FBE] =	sst s2  }
0x8f: {  	_ = 	snop  }
0x90: {  	s2 =	sld [smem:$0x3FD0];
	(tm) =	ssettm $0x1  }
0x91: {  	s18 =	sld [smem:$0x3FFB];
	_ =	sdelay $0x3  }
0x92: {  	_ =	strace s18  }
0x93: {  	s3 =	sld [smem:$0x3FFC];
	_ =	sdelay $0x3  }
0x94: {  	_ =	strace s3  }
0x95: {  	s3 =	sld [smem:$0x3FFD];
	_ =	sdelay $0x3  }
0x96: {  	_ =	strace s3  }
0x97: {  	_ =	strace $0x8FFFFFFF  }
0x98: {  	s19 =	sld [smem:$0x3FDB];
	_ =	sdelay $0x1  }
0x99: {  	s4 =	simm.s32 $_scs_section_size  }
0x9a: {  	s5 =	simm.s32 $_size__tile_overlayer_lowered;
	s6 =	simm.s32 $_tile_overlayer_lowered  }
0x9b: {  	s22 =	simm.s32 $0x1BFF;
	s21 =	sshll.u32 s6, $0x1;
	s3 =	sadd.s32 s4, s19  }
0x9c: {  	s7 =	simm.s32 $0x0;
	s20 =	sshll.u32 s5, $0x1;
	s5 =	sadd.s32 s21, s3  }
0x9d: {  	[timem:s7], [sflag:s22] =	dma.local [hbm:s5], s20  }
0x9e: {  	_ =	swait.ge [sflag:s22], s20  }
0x9f: {  	s4 =	ssub.s32 $0x0, s20;
	[sflag:s22] =	ssyncset.done $0x0  }
0xa0: {  	[sflag:s22] =	ssyncadd.s32 s4;
	_ =	sdelay $0x1  }
0xa1: {  	s23 =	simm.s32 $0x1B8B  }
0xa2: {  	_ =	swait.ge [sflag:s23], $0x1  }
0xa3: {  	[sflag:s23] =	ssyncset.done $0x0  }
0xa4: {  	s25 =	simm.s32 $0x1B8E;
	s24 =	sld [smem:$0x3FFE];
	[sflag:s23] =	ssyncadd.s32 $0xFFFFFFFF  }
0xa5: {  	s26 =	simm.s32 $execute0_lowered;
	[smem:$0x3FD2] =	sst s25  }
0xa6: {  	s5 =	sshll.u32 s26, $0x1;
	_ =	strace $0x80000046;
	[dreg:$0x1] =	wrdreg $0xFFFFFFFF  }
0xa7: {  	s28 =	simm.s32 $_size_execute0_lowered;
	s3 =	sadd.s32 s3, s5;
	[dreg:$0x0] =	wrdreg $0x0  }
0xa8: {  	s5 =	sshll.u32 s28, $0x1;
	[dreg:$0x2] =	wrdreg s3  }
0xa9: {  	[dreg:$0x3] =	wrdreg s5  }
0xaa: {  	[dreg:$0x4] =	wrdreg $0xC0  }
0xab: {  	_ =	task [dreg:s7], $0x5FFFF  }
0xac: {  	[dreg:$0x1] =	wrdreg $0xFFFFFFFF  }
0xad: {  	[dreg:$0x0] =	wrdreg $0x60  }
0xae: {  	[dreg:$0x2] =	wrdreg s2  }
0xaf: {  	[dreg:$0x3] =	wrdreg s24  }
0xb0: {  	[dreg:$0x4] =	wrdreg $0x53000  }
0xb1: {  	[dreg:$0x5] =	wrdreg $0x9  }
0xb2: {  	_ =	task.clear_ibuf [dreg:s7], $0x6FFFF;
	_ =	strace $0x90000046  }
0xb3: {  	s29 =	simm.s32 $0x9;
	_ =	strace $0x80000048  }
0xb4: {  	_ =	swait.ge [sflag:s29], $0x1  }
0xb5: {  	[sflag:s29] =	ssyncadd.s32 $0xFFFFFFFF  }
0xb6: {  	_ =	strace $0x90000048  }
0xb7: {  	_ =	sfence  }
0xb8: {  	s30 =	sld [smem:$0x0];
	_ =	sdelay $0x2  }
0xb9: {  	s31 =	sshll.u32 s1, $0xD;
	s1 =	sshrl.u32 s1, $0x2  }
0xba: {  	s3 =	sand.u32 $0x4000, s31;
	s1 =	sadd.s32 s1, s30  }
0xbb: {  	s0 =	sor.u32 s3, s0;
	s1 =	sshll.u32 s1, $0x11  }
0xbc: {  	s0 =	sor.u32 s1, s0  }
0xbd: {  	s0 =	sadd.s32 $0x8F2B, s0  }
0xbe: {  	[sflag:s0] =	ssyncadd.remote.s32 $0x1  }
0xbf: {  	_ =	sfence.sel $0xFFFF  }
0xc0: {  	[dreg:$0x0] =	wrdreg $0xFFFFFFFF;
	(pc) =	sbr.abs _section_cstart, $3  }
0xc1: {  	[dreg:$0x1] =	wrdreg $0xFFFFFFFF  }
0xc2: {  	_ =	task.clear_ibuf [dreg:s7], $0x2FFFF;
	_ =	strace $0x9FFFFFFF  }
0xc3: {  	(tm) =	ssettm $0x7FFFFFFF  }
tec
execute0_lowered:
.L_overlay_start_1:
0x0: {  	(tag) =	ssettag $0x1  }
0x1: {  	s1 =	srdreg.scid  }
0x2: {  	s1 =	sand.u32 $0x1, s1  }
0x3: {  	p0 =	seq.s32 s1, $0x1  }
.Ltmp0:
0x4: {  	s7 =	rddreg [dreg:$0x0];
	(pc) =	sbr.rel @p0 .LBB2_4-.Ltmp0, $4  }
0x5: {  	s5 =	rddreg [dreg:$0x1]  }
0x6: {  	s2 =	rddreg [dreg:$0x2];
	s8 =	simm.s32 $0x0  }
0x7: {  	[smem:$0x7FF] =	sst s8  }
0x8: {  	s0 =	rddreg [dreg:$0x3];
	_ =	strace $0x80000047;
	s1 =	stileid.u32  }
0x9: {  	s3 =	sadd.s32 $0x3C00, s5;
	s6 =	simm.s32 $0x5080;
	s4 =	simm.s32 $0x1  }
0xa: {  	[tilespmem:s6], [sflag:$0x1] =	stream.linear.gather [hbm4b:s3+s8], $0x280, $0x38;
	[tilespmem:$0x5580] =	vst v63  }
0xb: {  	s9 =	smul.u32 $0x280, s1;
	_ =	swait.ge [sflag:s4], $0x280  }
0xc: {  	[sflag:s4] =	ssyncset.done $0x0  }
0xd: {  	s3 =	sadd.s32 s9, s2;
	[sflag:s4] =	ssyncadd.s32 $0xFFFFFD80  }
0xe: {  	[spmem:s3] =	stream.linear.scatter [tilespmem:s6], [sflag:$0x1], $0x280, $0x38;
	[tilespmem:$0x5580] =	vst v63  }
0xf: {  	_ =	swait.ge [sflag:s4], $0x280  }
0x10: {  	[sflag:s4] =	ssyncset.done $0x0  }
0x11: {  	s10 =	sadd.s32 $0x3A00, s5;
	s6 =	simm.s32 $0x5000;
	[sflag:s4] =	ssyncadd.s32 $0xFFFFFD80  }
0x12: {  	[tilespmem:s6], [sflag:$0x1] =	stream.linear.gather [hbm4b:s10+s8], $0x80, $0x38;
	[tilespmem:$0x5580] =	vst v63  }
0x13: {  	s28 =	smul.u32 $0xA00, s1;
	_ =	swait.ge [sflag:s4], $0x80  }
0x14: {  	[sflag:s4] =	ssyncset.done $0x0  }
0x15: {  	s7 =	sadd.s32 s7, s28;
	[sflag:s4] =	ssyncadd.s32 $0xFFFFFF80  }
0x16: {  	[tilespmem:s8], [sflag:$0x1] =	stream.linear.gather [hbm4b:s7+s8], $0x5000, $0x38;
	[tilespmem:$0x5580] =	vst v63  }
0x17: {  	_ =	swait.ge [sflag:s4], $0x5000  }
0x18: {  	[sflag:s4] =	ssyncset.done $0x0  }
0x19: {  	s30 =	simm.s32 $0x0;
	[sflag:s4] =	ssyncadd.s32 $0xFFFFB000  }
0x1a: {  	s29 =	sshrl.u32 s9, $0x3;
	s7 =	simm.s32 $0x7D;
	[bflag:$0x0] =	sbarrier.arrive $0xFFFF  }
0x1b: {  	[spmem:s2] =	stream.indirect.scatter.add.f32 [tilespmem:s6], [sflag:$0x1], $0x1, s30, s7, $0xb8;
	[tilespmem:$0x5580] =	vst v63  }
0x1c: {  	s31 =	sadd.s32 s29, s5;
	_ =	swait.ge [sflag:s4], $0x7D  }
0x1d: {  	s5 =	sadd.s32 $0x3E00, s31;
	s8 =	simm.s32 $0x200;
	[sflag:s4] =	ssyncset.done $0x0  }
.LBB2_2:
0x1e: {  	s9 =	sshra.s32 s8, $0x2;
	[sflag:s4] =	ssyncadd.s32 $0xFFFFFF83;
	p0 =	sne.s32 s8, $0x13E00  }
0x1f: {  	[spmem:s2] =	stream.indirect.scatter.add.f32 [tilespmem:s6], [sflag:$0x1], $0x1, s9, s7, $0xb8;
	[tilespmem:$0x5580] =	vst v63  }
.Ltmp1:
0x20: {  	_ = 	snop;
	(pc) =	sbr.rel @p0 .LBB2_2-.Ltmp1, $4  }
0x21: {  	_ = 	snop  }
0x22: {  	s8 =	sadd.s32 $0x200, s8  }
0x23: {  	_ =	swait.ge [sflag:s4], $0x7D  }
0x24: {  	[sflag:s4] =	ssyncset.done $0x0  }
0x25: {  	[sflag:s4] =	ssyncadd.s32 $0xFFFFFF83;
	s2 =	sshll.u32 s1, $0x6;
	s3 =	sshrl.u32 s3, $0x3  }
0x26: {  	s31 =	simm.s32 $0x1;
	[bflag:$0x0] =	sbarrier.arrive $0xFFFF;
	s2 =	sor.u32 $0x1C01, s2  }
0x27: {  	[hbm:s5], [sflag:s2] =	dma.local [spmem:s3], $0x50  }
0x28: {  	_ =	swait.ge [sflag:s31], $0x50  }
0x29: {  	[sflag:s31] =	ssyncset.done $0x0  }
0x2a: {  	[sflag:s31] =	ssyncadd.s32 $0xFFFFFFB0  }
.LBB2_4:
0x2b: {  	_ =	sfence.sel $0x180000  }
0x2c: {  	[bflag:$0x0] =	sbarrier.arrive $0xFFFF  }
0x2d: {  	p0 =	sne.s32 s1, $0x0;
	_ =	strace $0x90000047  }
0x2e: {  	s0 =	sadd.s32 @!p0 $0x100000, s0;
	[bflag:$0x2] =	sbarrier.arrive $0xFFFF  }
0x2f: {  	[sflag:s0] =	ssyncadd.tile.s32 @!p0 $0x1;
	_ =	shalt  }
.Lfunc_end2:
_tile_overlayer_lowered:
.L_overlay_start_2:
0x30: {  	(tag) =	ssettag $0x2  }
0x31: {  	s0 =	rddreg [dreg:$0x0];
	s2 =	stileid.u32  }
0x32: {  	s1 =	rddreg [dreg:$0x1];
	p0 =	sne.s32 s2, $0x0  }
0x33: {  	s3 =	rddreg [dreg:$0x2];
	[bflag:$0x3] =	sbarrier.arrive $0xFFFF;
	s2 =	simm.s32 @!p0 $0x1C01  }
0x34: {  	[timem:s3], [sflag:s2] =	dma.local @!p0 [hbm:s0], s1  }
0x35: {  	s0 =	simm.s32 @!p0 $0x1  }
0x36: {  	_ =	swait.ge @!p0 [sflag:s0], s1  }
0x37: {  	s1 =	ssub.s32 @!p0 $0x0, s1;
	[sflag:s0] =	ssyncset.done @!p0 $0x0  }
0x38: {  	[sflag:s0] =	ssyncadd.s32 @!p0 s1  }
0x39: {  	[bflag:$0x3] =	sbarrier.arrive $0xFFFF  }
0x3a: {  	_ =	shalt  }

// kernel: kernel.13.cloned.1.call-start
scs
__scs_entry_jumppad:
0x0: {  	(pc) =	sbr.rel $0x88, $3  }
0x1: {  	(tag) =	ssettag $0x0;
	lr =	simm.s32 $0x1  }
0x2: {  	[smem:$0x3F97] =	sst lr;
	_ =	strace $0xD0000000  }
0x3: {  	_ = 	snop  }
0x4: {  	_ = 	snop  }
0x5: {  	_ = 	snop  }
0x6: {  	_ = 	snop  }
0x7: {  	_ = 	snop  }
__scs_overlays_trampoline_lowered:
0x8: {  	[smem:$0x3FA6] =	sst s0  }
0x9: {  	[smem:$0x3FA7] =	sst s1  }
0xa: {  	[smem:$0x3FA8] =	sst s2  }
0xb: {  	[smem:$0x3FA9] =	sst s3  }
0xc: {  	[smem:$0x3FAA] =	sst s4  }
0xd: {  	[smem:$0x3FAB] =	sst s5  }
0xe: {  	[smem:$0x3FAC] =	sst s6  }
0xf: {  	[smem:$0x3FAD] =	sst s7  }
0x10: {  	[smem:$0x3FAE] =	sst s8  }
0x11: {  	[smem:$0x3FAF] =	sst s9;
	s0 =	simm.s32 @!p0 $0x0  }
0x12: {  	s1 =	sld [smem:$0x3F95];
	s0 =	simm.s32 @p0 $0x1  }
0x13: {  	[smem:$0x3FB0] =	sst s0;
	s0 =	simm.s32 @!p1 $0x0  }
0x14: {  	s2 =	sld [smem:$0x3F94];
	s0 =	simm.s32 @p1 $0x1  }
0x15: {  	[smem:$0x3FB1] =	sst s0;
	s0 =	simm.s32 @!p2 $0x0  }
0x16: {  	s3 =	sld [smem:$0x3FDB];
	s0 =	simm.s32 @p2 $0x1  }
0x17: {  	s4 =	simm.s32 $0x1BF5;
	[smem:$0x3FB3] =	sst s0  }
0x18: {  	s0 =	sld [smem:$0x3F96];
	_ =	swait.ge [sflag:s4], $0x0  }
0x19: {  	s7 =	sld [smem:$0x3F97]  }
0x1a: {  	s8 =	sadd.s32 $0xFFFFE003, lr  }
0x1b: {  	s9 =	sadd.s32 $0xFFFFFEF7, lr;
	s5 =	simm.s32 $0xFFFFFFFF;
	p2 =	slt.u32 s8, $0xFFFFF086  }
0x1c: {  	p1 =	slt.u32 s9, $0xF7A;
	s5 =	simm.s32 @!p2 $0x0  }
0x1d: {  	s5 =	simm.s32 @p1 $0x1;
	p0 =	seq.s32 s7, s2  }
0x1e: {  	s7 =	smul.u32 @!p0 $0xF7A, s2;
	p2 =	seq.s32 @!p0 s5, $0x0  }
0x1f: {  	s9 =	smul.u32 $0xF7A, s1;
	s8 =	simm.s32 @!p0 $0x1BF5;
	p2 =	por !p2, p0  }
0x20: {  	[sflag:s8] =	ssyncset.s32 @!p0 $0xFFFFF086;
	s6 =	sadd.s32 @!p0 s3, s7;
	s7 =	simm.s32 @!p0 $0x108  }
0x21: {  	s3 =	sadd.s32 s3, s9;
	s6 =	sadd.s32 @!p0 $0x88, s6;
	s7 =	simm.s32 @p2 $0x1082  }
0x22: {  	[simem:s7], [sflag:s8] =	dma.local @!p0 [hbm:s6], $0xF7A  }
0x23: {  	s9 =	sor.u32 $0xD0000000, s2;
	s6 =	simm.s32 $0x108;
	_ =	swait.ge @!p0 [sflag:s8], $0x0  }
0x24: {  	s3 =	sadd.s32 $0x88, s3;
	s6 =	simm.s32 @!p1 $0x1082;
	[sflag:s4] =	ssyncset.s32 $0xFFFFF086  }
0x25: {  	[simem:s6], [sflag:s4] =	dma.local [hbm:s3], $0xF7A  }
0x26: {  	[smem:$0x3F97] =	sst s1;
	(tag) =	ssettag s2;
	_ =	strace s9  }
0x27: {  	s1 =	sld [smem:$0x3FA7]  }
0x28: {  	s2 =	sld [smem:$0x3FA8]  }
0x29: {  	s4 =	sld [smem:$0x3FAA]  }
0x2a: {  	p0 =	seq.s32 s5, $0x0;
	s5 =	sld [smem:$0x3FAB]  }
0x2b: {  	s6 =	sld [smem:$0x3FAC]  }
0x2c: {  	s7 =	sld [smem:$0x3FAD]  }
0x2d: {  	s3 =	simm.s32 $0x108;
	s8 =	sld [smem:$0x3FAE]  }
0x2e: {  	s3 =	simm.s32 @!p0 $0x1082;
	s9 =	sld [smem:$0x3FAF]  }
0x2f: {  	lr =	sadd.s32 s0, s3;
	s0 =	sld [smem:$0x3FA6]  }
0x30: {  	s3 =	sld [smem:$0x3FA9]  }
0x31: {  	[smem:$0x3FB2] =	sst s10  }
0x32: {  	s10 =	sld [smem:$0x3FB0];
	_ =	sdelay $0x3  }
0x33: {  	p0 =	seq.s32 s10, $0x1;
	s10 =	sld [smem:$0x3FB2];
	_ =	sdelay $0x3  }
0x34: {  	[smem:$0x3FB2] =	sst s10  }
0x35: {  	s10 =	sld [smem:$0x3FB1];
	_ =	sdelay $0x3  }
0x36: {  	p1 =	seq.s32 s10, $0x1;
	s10 =	sld [smem:$0x3FB2];
	_ =	sdelay $0x3  }
0x37: {  	[smem:$0x3FB2] =	sst s10  }
0x38: {  	s10 =	sld [smem:$0x3FB3]  }
0x39: {  	_ = 	snop;
	(pc) =	sbr.ind lr, $3  }
0x3a: {  	_ = 	snop  }
0x3b: {  	_ = 	snop  }
0x3c: {  	p2 =	seq.s32 s10, $0x1;
	s10 =	sld [smem:$0x3FB2]  }
0x3d: {  	_ =	shalt  }
0x3e: {  	_ =	shalt  }
0x3f: {  	_ =	shalt  }
0x40: {  	_ =	shalt  }
0x41: {  	_ =	shalt  }
0x42: {  	_ =	shalt  }
0x43: {  	_ =	shalt  }
0x44: {  	_ =	shalt  }
0x45: {  	_ =	shalt  }
0x46: {  	_ =	shalt  }
0x47: {  	_ =	shalt  }
0x48: {  	_ =	shalt  }
0x49: {  	_ =	shalt  }
0x4a: {  	_ =	shalt  }
0x4b: {  	_ =	shalt  }
0x4c: {  	_ =	shalt  }
0x4d: {  	_ =	shalt  }
0x4e: {  	_ =	shalt  }
0x4f: {  	_ =	shalt  }
0x50: {  	_ =	shalt  }
0x51: {  	_ =	shalt  }
0x52: {  	_ =	shalt  }
0x53: {  	_ =	shalt  }
0x54: {  	_ =	shalt  }
0x55: {  	_ =	shalt  }
0x56: {  	_ =	shalt  }
0x57: {  	_ =	shalt  }
0x58: {  	_ =	shalt  }
0x59: {  	_ =	shalt  }
0x5a: {  	_ =	shalt  }
0x5b: {  	_ =	shalt  }
0x5c: {  	_ =	shalt  }
0x5d: {  	_ =	shalt  }
0x5e: {  	_ =	shalt  }
0x5f: {  	_ =	shalt  }
0x60: {  	_ =	shalt  }
0x61: {  	_ =	shalt  }
0x62: {  	_ =	shalt  }
0x63: {  	_ =	shalt  }
0x64: {  	_ =	shalt  }
0x65: {  	_ =	shalt  }
0x66: {  	_ =	shalt  }
0x67: {  	_ =	shalt  }
0x68: {  	_ =	shalt  }
0x69: {  	_ =	shalt  }
0x6a: {  	_ =	shalt  }
0x6b: {  	_ =	shalt  }
0x6c: {  	_ =	shalt  }
0x6d: {  	_ =	shalt  }
0x6e: {  	_ =	shalt  }
0x6f: {  	_ =	shalt  }
0x70: {  	_ =	shalt  }
0x71: {  	_ =	shalt  }
0x72: {  	_ =	shalt  }
0x73: {  	_ =	shalt  }
0x74: {  	_ =	shalt  }
0x75: {  	_ =	shalt  }
0x76: {  	_ =	shalt  }
0x77: {  	_ =	shalt  }
0x78: {  	_ =	shalt  }
0x79: {  	_ =	shalt  }
0x7a: {  	_ =	shalt  }
0x7b: {  	_ =	shalt  }
0x7c: {  	_ =	shalt  }
0x7d: {  	_ =	shalt  }
0x7e: {  	_ =	shalt  }
0x7f: {  	_ =	shalt  }
0x80: {  	_ =	shalt  }
0x81: {  	_ =	shalt  }
0x82: {  	_ =	shalt  }
0x83: {  	_ =	shalt  }
0x84: {  	_ =	shalt  }
0x85: {  	_ =	shalt  }
0x86: {  	_ =	shalt  }
0x87: {  	_ =	shalt  }
.Lfunc_end0:
.L_simem_size_0:
called_computation.1_lowered:
.L_overlay_start_0:
0x88: {  	s2 =	sld [smem:$0x3FD9]  }
0x89: {  	s3 =	sld [smem:$0x3FFE];
	_ =	sdelay $0x1  }
0x8a: {  	s1 =	srdreg.scid  }
0x8b: {  	s0 =	sand.u32 $0x1, s1  }
0x8c: {  	s17 =	sshll.u32 s0, $0xA;
	s2 =	sadd.s32 s3, s2  }
0x8d: {  	s2 =	sadd.s32 s2, s17  }
0x8e: {  	[smem:$0x3FBE] =	sst s2  }
0x8f: {  	_ = 	snop  }
0x90: {  	s2 =	sld [smem:$0x3FD0];
	(tm) =	ssettm $0x1  }
0x91: {  	s18 =	sld [smem:$0x3FFB];
	_ =	sdelay $0x3  }
0x92: {  	_ =	strace s18  }
0x93: {  	s3 =	sld [smem:$0x3FFC];
	_ =	sdelay $0x3  }
0x94: {  	_ =	strace s3  }
0x95: {  	s3 =	sld [smem:$0x3FFD];
	_ =	sdelay $0x3  }
0x96: {  	_ =	strace s3  }
0x97: {  	_ =	strace $0x8FFFFFFF  }
0x98: {  	s19 =	sld [smem:$0x3FDB];
	_ =	sdelay $0x1  }
0x99: {  	s4 =	simm.s32 $_scs_section_size  }
0x9a: {  	s5 =	simm.s32 $_size__tile_overlayer_lowered;
	s6 =	simm.s32 $_tile_overlayer_lowered  }
0x9b: {  	s22 =	simm.s32 $0x1BFF;
	s21 =	sshll.u32 s6, $0x1;
	s3 =	sadd.s32 s4, s19  }
0x9c: {  	s7 =	simm.s32 $0x0;
	s20 =	sshll.u32 s5, $0x1;
	s5 =	sadd.s32 s21, s3  }
0x9d: {  	[timem:s7], [sflag:s22] =	dma.local [hbm:s5], s20  }
0x9e: {  	_ =	swait.ge [sflag:s22], s20  }
0x9f: {  	s4 =	ssub.s32 $0x0, s20;
	[sflag:s22] =	ssyncset.done $0x0  }
0xa0: {  	[sflag:s22] =	ssyncadd.s32 s4;
	_ =	sdelay $0x1  }
0xa1: {  	s23 =	simm.s32 $0x1B8B  }
0xa2: {  	_ =	swait.ge [sflag:s23], $0x1  }
0xa3: {  	[sflag:s23] =	ssyncset.done $0x0  }
0xa4: {  	s25 =	simm.s32 $0x1B8E;
	s24 =	sld [smem:$0x3FFE];
	[sflag:s23] =	ssyncadd.s32 $0xFFFFFFFF  }
0xa5: {  	s26 =	simm.s32 $execute0_lowered;
	[smem:$0x3FD2] =	sst s25  }
0xa6: {  	s5 =	sshll.u32 s26, $0x1;
	_ =	strace $0x80000049;
	[dreg:$0x1] =	wrdreg $0xFFFFFFFF  }
0xa7: {  	s28 =	simm.s32 $_size_execute0_lowered;
	s3 =	sadd.s32 s3, s5;
	[dreg:$0x0] =	wrdreg $0x0  }
0xa8: {  	s5 =	sshll.u32 s28, $0x1;
	[dreg:$0x2] =	wrdreg s3  }
0xa9: {  	[dreg:$0x3] =	wrdreg s5  }
0xaa: {  	[dreg:$0x4] =	wrdreg $0xC0  }
0xab: {  	_ =	task [dreg:s7], $0x5FFFF  }
0xac: {  	[dreg:$0x1] =	wrdreg $0xFFFFFFFF  }
0xad: {  	[dreg:$0x0] =	wrdreg $0x60  }
0xae: {  	[dreg:$0x2] =	wrdreg s24  }
0xaf: {  	[dreg:$0x3] =	wrdreg s2  }
0xb0: {  	[dreg:$0x4] =	wrdreg $0x90000  }
0xb1: {  	[dreg:$0x5] =	wrdreg $0x9  }
0xb2: {  	_ =	task.clear_ibuf [dreg:s7], $0x6FFFF;
	_ =	strace $0x90000049  }
0xb3: {  	s29 =	simm.s32 $0x9;
	_ =	strace $0x8000004B  }
0xb4: {  	_ =	swait.ge [sflag:s29], $0x1  }
0xb5: {  	[sflag:s29] =	ssyncadd.s32 $0xFFFFFFFF  }
0xb6: {  	_ =	strace $0x9000004B  }
0xb7: {  	_ =	sfence  }
0xb8: {  	s30 =	sld [smem:$0x0];
	_ =	sdelay $0x2  }
0xb9: {  	s31 =	sshll.u32 s1, $0xD;
	s1 =	sshrl.u32 s1, $0x2  }
0xba: {  	s3 =	sand.u32 $0x4000, s31;
	s1 =	sadd.s32 s1, s30  }
0xbb: {  	s0 =	sor.u32 s3, s0;
	s1 =	sshll.u32 s1, $0x11  }
0xbc: {  	s0 =	sor.u32 s1, s0  }
0xbd: {  	s0 =	sadd.s32 $0x8F2B, s0  }
0xbe: {  	[sflag:s0] =	ssyncadd.remote.s32 $0x1  }
0xbf: {  	_ =	sfence.sel $0xFFFF  }
0xc0: {  	[dreg:$0x0] =	wrdreg $0xFFFFFFFF;
	(pc) =	sbr.abs _section_cstart, $3  }
0xc1: {  	[dreg:$0x1] =	wrdreg $0xFFFFFFFF  }
0xc2: {  	_ =	task.clear_ibuf [dreg:s7], $0x2FFFF;
	_ =	strace $0x9FFFFFFF  }
0xc3: {  	(tm) =	ssettm $0x7FFFFFFF  }
tec
execute0_lowered:
.L_overlay_start_1:
0x0: {  	(tag) =	ssettag $0x1  }
0x1: {  	s5 =	rddreg [dreg:$0x0]  }
0x2: {  	s0 =	srdreg.scid;
	s9 =	rddreg [dreg:$0x1]  }
0x3: {  	s2 =	rddreg [dreg:$0x2];
	s1 =	stileid.u32;
	s3 =	simm.s32 $0x0  }
0x4: {  	s15 =	simm.s32 $0x5000;
	s16 =	simm.s32 $0x1;
	s17 =	simm.s32 $0x0  }
0x5: {  	s6 =	sand.u32 $0x1, s0;
	s0 =	rddreg [dreg:$0x3];
	s8 =	smul.u32 $0x50000, s1  }
0x6: {  	[smem:$0x7FF] =	sst s3;
	s12 =	smul.u32 $0x14000, s1;
	s30 =	sshll.u32 s1, $0x6  }
0x7: {  	s4 =	sshll.u32 s6, $0x4;
	_ =	strace $0x8000004A;
	s26 =	ssub.s32 $0x2, s6  }
0x8: {  	s11 =	smul.u32 $0x140000, s6;
	s6 =	sor.u32 $0x1C02, s30;
	s4 =	sor.u32 s1, s4  }
0x9: {  	s28 =	sshrl.u32 s26, $0x1;
	s29 =	sshrl.u32 s8, $0x2;
	s7 =	smul.u32 $0x500, s4  }
0xa: {  	s4 =	sadd.s32 $0x40400, s5;
	s13 =	ssub.s32 s26, s28;
	s11 =	sadd.s32 s12, s11  }
0xb: {  	s14 =	sadd.s32 s29, s2;
	s12 =	simm.s32 $0x2;
	s31 =	sshrl.u32 s11, $0x3  }
0xc: {  	s11 =	sshrl.u32 s14, $0x3;
	s14 =	simm.s32 $0x7D;
	s10 =	sadd.s32 s7, s5  }
0xd: {  	s5 =	sadd.s32 $0x68400, s5;
	s9 =	sadd.s32 s9, s31;
	s7 =	sadd.s32 $0xE400, s10  }
0xe: {  	s8 =	sadd.s32 $0x4400, s10;
	s10 =	smax.u32 s13, $0x1;
	s13 =	simm.s32 $0x2800  }
.LBB2_1:
0xf: {  	[spmem:s11], [sflag:s6] =	dma.local [hbm:s5], $0x2800  }
0x10: {  	_ =	swait.ge [sflag:s12], $0x2800  }
0x11: {  	[sflag:s12] =	ssyncset.done $0x0  }
0x12: {  	[sflag:s12] =	ssyncadd.s32 $0xFFFFD800  }
0x13: {  	[tilespmem:s3], [sflag:$0x2] =	stream.linear.gather [hbm4b:s7+s3], $0x2800, $0x38;
	[tilespmem:$0x1D000] =	vst v63  }
0x14: {  	_ =	swait.ge [sflag:s12], $0x2800  }
0x15: {  	[sflag:s12] =	ssyncset.done $0x0  }
0x16: {  	[sflag:s12] =	ssyncadd.s32 $0xFFFFD800  }
0x17: {  	[tilespmem:s13], [sflag:$0x2] =	stream.linear.gather [hbm4b:s8+s3], $0x2800, $0x38;
	[tilespmem:$0x1D000] =	vst v63  }
0x18: {  	_ =	swait.ge [sflag:s12], $0x2800  }
0x19: {  	[sflag:s12] =	ssyncset.done $0x0  }
0x1a: {  	[sflag:s12] =	ssyncadd.s32 $0xFFFFD800  }
0x1b: {  	s18 =	simm.s32 $0x0;
	[bflag:$0x0] =	sbarrier.arrive $0xFFFF  }
0x1c: {  	[tilespmem:s15], [sflag:$0x1] =	stream.indirect.gather [hbm4b:s4+s14], $0x80, s18, s14, $0xb8;
	[tilespmem:$0x1D000] =	vst v63  }
0x1d: {  	_ =	swait.ge [sflag:s16], $0x3E80  }
0x1e: {  	[sflag:s16] =	ssyncset.done $0x0  }
0x1f: {  	s31 =	simm.s32 $0x2800;
	[sflag:s16] =	ssyncadd.s32 $0xFFFFC180  }
0x20: {  	[spmem:s2] =	stream.indirect.scatter.add.f32 [tilespmem:s15], [sflag:$0x2], $0x80, s31, s14, $0xb8;
	[tilespmem:$0x1D000] =	vst v63  }
0x21: {  	_ =	swait.ge [sflag:s12], $0x3E80  }
0x22: {  	s19 =	simm.s32 $0x400;
	s18 =	simm.s32 $0x200;
	[sflag:s12] =	ssyncset.done $0x0  }
.LBB2_2:
0x23: {  	s20 =	sshra.s32 s18, $0x2  }
0x24: {  	[sflag:s12] =	ssyncadd.s32 $0xFFFFC180;
	s18 =	smov.u32 s19;
	s21 =	sadd.s32 $0x200, s19  }
0x25: {  	[tilespmem:s15], [sflag:$0x1] =	stream.indirect.gather [hbm4b:s4+s14], $0x80, s20, s14, $0xb8;
	[tilespmem:$0x1D000] =	vst v63  }
0x26: {  	p0 =	sne.s32 s19, $0x9E00;
	_ =	swait.ge [sflag:s16], $0x3E80  }
.Ltmp0:
0x27: {  	[sflag:s16] =	ssyncset.done $0x0;
	(pc) =	sbr.rel @p0 .LBB2_2-.Ltmp0, $4  }
0x28: {  	s19 =	sadd.s32 $0x2800, s20;
	[sflag:s16] =	ssyncadd.s32 $0xFFFFC180  }
0x29: {  	[spmem:s2] =	stream.indirect.scatter.add.f32 [tilespmem:s15], [sflag:$0x2], $0x80, s19, s14, $0xb8;
	[tilespmem:$0x1D000] =	vst v63  }
0x2a: {  	_ =	swait.ge [sflag:s12], $0x3E80  }
0x2b: {  	s19 =	smov.u32 s21;
	[sflag:s12] =	ssyncset.done $0x0  }
0x2c: {  	s18 =	sshra.s32 s18, $0x2;
	[sflag:s12] =	ssyncadd.s32 $0xFFFFC180  }
0x2d: {  	[tilespmem:s15], [sflag:$0x1] =	stream.indirect.gather [hbm4b:s4+s14], $0x80, s18, s14, $0xb8;
	[tilespmem:$0x1D000] =	vst v63  }
0x2e: {  	_ =	swait.ge [sflag:s16], $0x3E80  }
0x2f: {  	[sflag:s16] =	ssyncset.done $0x0  }
0x30: {  	s18 =	sadd.s32 $0x2800, s18;
	[sflag:s16] =	ssyncadd.s32 $0xFFFFC180  }
0x31: {  	[spmem:s2] =	stream.indirect.scatter.add.f32 [tilespmem:s15], [sflag:$0x2], $0x80, s18, s14, $0xb8;
	[tilespmem:$0x1D000] =	vst v63  }
0x32: {  	_ =	swait.ge [sflag:s12], $0x3E80  }
0x33: {  	s17 =	sadd.s32 $0x1, s17;
	[sflag:s12] =	ssyncset.done $0x0  }
0x34: {  	p0 =	sne.s32 s17, s10;
	[sflag:s12] =	ssyncadd.s32 $0xFFFFC180  }
.Ltmp1:
0x35: {  	[bflag:$0x0] =	sbarrier.arrive $0xFFFF;
	(pc) =	sbr.rel @p0 .LBB2_1-.Ltmp1, $4  }
0x36: {  	[hbm:s9], [sflag:s6] =	dma.local [spmem:s11], $0x2800  }
0x37: {  	_ =	swait.ge [sflag:s12], $0x2800  }
0x38: {  	[sflag:s12] =	ssyncset.done $0x0  }
0x39: {  	[sflag:s12] =	ssyncadd.s32 $0xFFFFD800  }
0x3a: {  	_ =	sfence.sel $0x180000  }
0x3b: {  	[bflag:$0x0] =	sbarrier.arrive $0xFFFF  }
0x3c: {  	p0 =	sne.s32 s1, $0x0;
	_ =	strace $0x9000004A  }
0x3d: {  	s0 =	sadd.s32 @!p0 $0x100000, s0;
	[bflag:$0x2] =	sbarrier.arrive $0xFFFF  }
0x3e: {  	[sflag:s0] =	ssyncadd.tile.s32 @!p0 $0x1;
	_ =	shalt  }
.Lfunc_end2:
_tile_overlayer_lowered:
.L_overlay_start_2:
0x3f: {  	(tag) =	ssettag $0x2  }
0x40: {  	s0 =	rddreg [dreg:$0x0];
	s2 =	stileid.u32  }
0x41: {  	s1 =	rddreg [dreg:$0x1];
	p0 =	sne.s32 s2, $0x0  }
0x42: {  	s3 =	rddreg [dreg:$0x2];
	[bflag:$0x3] =	sbarrier.arrive $0xFFFF;
	s2 =	simm.s32 @!p0 $0x1C02  }
0x43: {  	[timem:s3], [sflag:s2] =	dma.local @!p0 [hbm:s0], s1  }
0x44: {  	s0 =	simm.s32 @!p0 $0x2  }
0x45: {  	_ =	swait.ge @!p0 [sflag:s0], s1  }
0x46: {  	s1 =	ssub.s32 @!p0 $0x0, s1;
	[sflag:s0] =	ssyncset.done @!p0 $0x0  }
0x47: {  	[sflag:s0] =	ssyncadd.s32 @!p0 s1  }
0x48: {  	[bflag:$0x3] =	sbarrier.arrive $0xFFFF  }
0x49: {  	_ =	shalt  }

// kernel: kernel.16.cloned.1.call-start
scs
__scs_entry_jumppad:
0x0: {  	(pc) =	sbr.rel $0x88, $3  }
0x1: {  	(tag) =	ssettag $0x0;
	lr =	simm.s32 $0x1  }
0x2: {  	[smem:$0x3F97] =	sst lr;
	_ =	strace $0xD0000000  }
0x3: {  	_ = 	snop  }
0x4: {  	_ = 	snop  }
0x5: {  	_ = 	snop  }
0x6: {  	_ = 	snop  }
0x7: {  	_ = 	snop  }
__scs_overlays_trampoline_lowered:
0x8: {  	[smem:$0x3FA6] =	sst s0  }
0x9: {  	[smem:$0x3FA7] =	sst s1  }
0xa: {  	[smem:$0x3FA8] =	sst s2  }
0xb: {  	[smem:$0x3FA9] =	sst s3  }
0xc: {  	[smem:$0x3FAA] =	sst s4  }
0xd: {  	[smem:$0x3FAB] =	sst s5  }
0xe: {  	[smem:$0x3FAC] =	sst s6  }
0xf: {  	[smem:$0x3FAD] =	sst s7  }
0x10: {  	[smem:$0x3FAE] =	sst s8  }
0x11: {  	[smem:$0x3FAF] =	sst s9;
	s0 =	simm.s32 @!p0 $0x0  }
0x12: {  	s1 =	sld [smem:$0x3F95];
	s0 =	simm.s32 @p0 $0x1  }
0x13: {  	[smem:$0x3FB0] =	sst s0;
	s0 =	simm.s32 @!p1 $0x0  }
0x14: {  	s2 =	sld [smem:$0x3F94];
	s0 =	simm.s32 @p1 $0x1  }
0x15: {  	[smem:$0x3FB1] =	sst s0;
	s0 =	simm.s32 @!p2 $0x0  }
0x16: {  	s3 =	sld [smem:$0x3FDB];
	s0 =	simm.s32 @p2 $0x1  }
0x17: {  	s4 =	simm.s32 $0x1BF5;
	[smem:$0x3FB3] =	sst s0  }
0x18: {  	s0 =	sld [smem:$0x3F96];
	_ =	swait.ge [sflag:s4], $0x0  }
0x19: {  	s7 =	sld [smem:$0x3F97]  }
0x1a: {  	s8 =	sadd.s32 $0xFFFFE003, lr  }
0x1b: {  	s9 =	sadd.s32 $0xFFFFFEF7, lr;
	s5 =	simm.s32 $0xFFFFFFFF;
	p2 =	slt.u32 s8, $0xFFFFF086  }
0x1c: {  	p1 =	slt.u32 s9, $0xF7A;
	s5 =	simm.s32 @!p2 $0x0  }
0x1d: {  	s5 =	simm.s32 @p1 $0x1;
	p0 =	seq.s32 s7, s2  }
0x1e: {  	s7 =	smul.u32 @!p0 $0xF7A, s2;
	p2 =	seq.s32 @!p0 s5, $0x0  }
0x1f: {  	s9 =	smul.u32 $0xF7A, s1;
	s8 =	simm.s32 @!p0 $0x1BF5;
	p2 =	por !p2, p0  }
0x20: {  	[sflag:s8] =	ssyncset.s32 @!p0 $0xFFFFF086;
	s6 =	sadd.s32 @!p0 s3, s7;
	s7 =	simm.s32 @!p0 $0x108  }
0x21: {  	s3 =	sadd.s32 s3, s9;
	s6 =	sadd.s32 @!p0 $0x88, s6;
	s7 =	simm.s32 @p2 $0x1082  }
0x22: {  	[simem:s7], [sflag:s8] =	dma.local @!p0 [hbm:s6], $0xF7A  }
0x23: {  	s9 =	sor.u32 $0xD0000000, s2;
	s6 =	simm.s32 $0x108;
	_ =	swait.ge @!p0 [sflag:s8], $0x0  }
0x24: {  	s3 =	sadd.s32 $0x88, s3;
	s6 =	simm.s32 @!p1 $0x1082;
	[sflag:s4] =	ssyncset.s32 $0xFFFFF086  }
0x25: {  	[simem:s6], [sflag:s4] =	dma.local [hbm:s3], $0xF7A  }
0x26: {  	[smem:$0x3F97] =	sst s1;
	(tag) =	ssettag s2;
	_ =	strace s9  }
0x27: {  	s1 =	sld [smem:$0x3FA7]  }
0x28: {  	s2 =	sld [smem:$0x3FA8]  }
0x29: {  	s4 =	sld [smem:$0x3FAA]  }
0x2a: {  	p0 =	seq.s32 s5, $0x0;
	s5 =	sld [smem:$0x3FAB]  }
0x2b: {  	s6 =	sld [smem:$0x3FAC]  }
0x2c: {  	s7 =	sld [smem:$0x3FAD]  }
0x2d: {  	s3 =	simm.s32 $0x108;
	s8 =	sld [smem:$0x3FAE]  }
0x2e: {  	s3 =	simm.s32 @!p0 $0x1082;
	s9 =	sld [smem:$0x3FAF]  }
0x2f: {  	lr =	sadd.s32 s0, s3;
	s0 =	sld [smem:$0x3FA6]  }
0x30: {  	s3 =	sld [smem:$0x3FA9]  }
0x31: {  	[smem:$0x3FB2] =	sst s10  }
0x32: {  	s10 =	sld [smem:$0x3FB0];
	_ =	sdelay $0x3  }
0x33: {  	p0 =	seq.s32 s10, $0x1;
	s10 =	sld [smem:$0x3FB2];
	_ =	sdelay $0x3  }
0x34: {  	[smem:$0x3FB2] =	sst s10  }
0x35: {  	s10 =	sld [smem:$0x3FB1];
	_ =	sdelay $0x3  }
0x36: {  	p1 =	seq.s32 s10, $0x1;
	s10 =	sld [smem:$0x3FB2];
	_ =	sdelay $0x3  }
0x37: {  	[smem:$0x3FB2] =	sst s10  }
0x38: {  	s10 =	sld [smem:$0x3FB3]  }
0x39: {  	_ = 	snop;
	(pc) =	sbr.ind lr, $3  }
0x3a: {  	_ = 	snop  }
0x3b: {  	_ = 	snop  }
0x3c: {  	p2 =	seq.s32 s10, $0x1;
	s10 =	sld [smem:$0x3FB2]  }
0x3d: {  	_ =	shalt  }
0x3e: {  	_ =	shalt  }
0x3f: {  	_ =	shalt  }
0x40: {  	_ =	shalt  }
0x41: {  	_ =	shalt  }
0x42: {  	_ =	shalt  }
0x43: {  	_ =	shalt  }
0x44: {  	_ =	shalt  }
0x45: {  	_ =	shalt  }
0x46: {  	_ =	shalt  }
0x47: {  	_ =	shalt  }
0x48: {  	_ =	shalt  }
0x49: {  	_ =	shalt  }
0x4a: {  	_ =	shalt  }
0x4b: {  	_ =	shalt  }
0x4c: {  	_ =	shalt  }
0x4d: {  	_ =	shalt  }
0x4e: {  	_ =	shalt  }
0x4f: {  	_ =	shalt  }
0x50: {  	_ =	shalt  }
0x51: {  	_ =	shalt  }
0x52: {  	_ =	shalt  }
0x53: {  	_ =	shalt  }
0x54: {  	_ =	shalt  }
0x55: {  	_ =	shalt  }
0x56: {  	_ =	shalt  }
0x57: {  	_ =	shalt  }
0x58: {  	_ =	shalt  }
0x59: {  	_ =	shalt  }
0x5a: {  	_ =	shalt  }
0x5b: {  	_ =	shalt  }
0x5c: {  	_ =	shalt  }
0x5d: {  	_ =	shalt  }
0x5e: {  	_ =	shalt  }
0x5f: {  	_ =	shalt  }
0x60: {  	_ =	shalt  }
0x61: {  	_ =	shalt  }
0x62: {  	_ =	shalt  }
0x63: {  	_ =	shalt  }
0x64: {  	_ =	shalt  }
0x65: {  	_ =	shalt  }
0x66: {  	_ =	shalt  }
0x67: {  	_ =	shalt  }
0x68: {  	_ =	shalt  }
0x69: {  	_ =	shalt  }
0x6a: {  	_ =	shalt  }
0x6b: {  	_ =	shalt  }
0x6c: {  	_ =	shalt  }
0x6d: {  	_ =	shalt  }
0x6e: {  	_ =	shalt  }
0x6f: {  	_ =	shalt  }
0x70: {  	_ =	shalt  }
0x71: {  	_ =	shalt  }
0x72: {  	_ =	shalt  }
0x73: {  	_ =	shalt  }
0x74: {  	_ =	shalt  }
0x75: {  	_ =	shalt  }
0x76: {  	_ =	shalt  }
0x77: {  	_ =	shalt  }
0x78: {  	_ =	shalt  }
0x79: {  	_ =	shalt  }
0x7a: {  	_ =	shalt  }
0x7b: {  	_ =	shalt  }
0x7c: {  	_ =	shalt  }
0x7d: {  	_ =	shalt  }
0x7e: {  	_ =	shalt  }
0x7f: {  	_ =	shalt  }
0x80: {  	_ =	shalt  }
0x81: {  	_ =	shalt  }
0x82: {  	_ =	shalt  }
0x83: {  	_ =	shalt  }
0x84: {  	_ =	shalt  }
0x85: {  	_ =	shalt  }
0x86: {  	_ =	shalt  }
0x87: {  	_ =	shalt  }
.Lfunc_end0:
.L_simem_size_0:
called_computation.2_lowered:
.L_overlay_start_0:
0x88: {  	s2 =	sld [smem:$0x3FD9]  }
0x89: {  	s3 =	sld [smem:$0x3FFE];
	_ =	sdelay $0x1  }
0x8a: {  	s1 =	srdreg.scid  }
0x8b: {  	s0 =	sand.u32 $0x1, s1  }
0x8c: {  	s17 =	sshll.u32 s0, $0xA;
	s2 =	sadd.s32 s3, s2  }
0x8d: {  	s2 =	sadd.s32 s2, s17  }
0x8e: {  	[smem:$0x3FBE] =	sst s2  }
0x8f: {  	_ = 	snop  }
0x90: {  	s2 =	sld [smem:$0x3FD0];
	(tm) =	ssettm $0x1  }
0x91: {  	s18 =	sld [smem:$0x3FFB];
	_ =	sdelay $0x3  }
0x92: {  	_ =	strace s18  }
0x93: {  	s3 =	sld [smem:$0x3FFC];
	_ =	sdelay $0x3  }
0x94: {  	_ =	strace s3  }
0x95: {  	s3 =	sld [smem:$0x3FFD];
	_ =	sdelay $0x3  }
0x96: {  	_ =	strace s3  }
0x97: {  	_ =	strace $0x8FFFFFFF  }
0x98: {  	s19 =	sld [smem:$0x3FDB];
	_ =	sdelay $0x1  }
0x99: {  	s4 =	simm.s32 $_scs_section_size  }
0x9a: {  	s5 =	simm.s32 $_size__tile_overlayer_lowered;
	s6 =	simm.s32 $_tile_overlayer_lowered  }
0x9b: {  	s22 =	simm.s32 $0x1BFF;
	s21 =	sshll.u32 s6, $0x1;
	s3 =	sadd.s32 s4, s19  }
0x9c: {  	s7 =	simm.s32 $0x0;
	s20 =	sshll.u32 s5, $0x1;
	s5 =	sadd.s32 s21, s3  }
0x9d: {  	[timem:s7], [sflag:s22] =	dma.local [hbm:s5], s20  }
0x9e: {  	_ =	swait.ge [sflag:s22], s20  }
0x9f: {  	s4 =	ssub.s32 $0x0, s20;
	[sflag:s22] =	ssyncset.done $0x0  }
0xa0: {  	[sflag:s22] =	ssyncadd.s32 s4;
	_ =	sdelay $0x1  }
0xa1: {  	s23 =	simm.s32 $0x1B8B  }
0xa2: {  	_ =	swait.ge [sflag:s23], $0x1  }
0xa3: {  	[sflag:s23] =	ssyncset.done $0x0  }
0xa4: {  	s25 =	simm.s32 $0x1B8E;
	s24 =	sld [smem:$0x3FFE];
	[sflag:s23] =	ssyncadd.s32 $0xFFFFFFFF  }
0xa5: {  	s26 =	simm.s32 $execute0_lowered;
	[smem:$0x3FD2] =	sst s25  }
0xa6: {  	s5 =	sshll.u32 s26, $0x1;
	_ =	strace $0x8000004C;
	[dreg:$0x1] =	wrdreg $0xFFFFFFFF  }
0xa7: {  	s28 =	simm.s32 $_size_execute0_lowered;
	s3 =	sadd.s32 s3, s5;
	[dreg:$0x0] =	wrdreg $0x0  }
0xa8: {  	s5 =	sshll.u32 s28, $0x1;
	[dreg:$0x2] =	wrdreg s3  }
0xa9: {  	[dreg:$0x3] =	wrdreg s5  }
0xaa: {  	[dreg:$0x4] =	wrdreg $0xC0  }
0xab: {  	_ =	task [dreg:s7], $0x5FFFF  }
0xac: {  	[dreg:$0x1] =	wrdreg $0xFFFFFFFF  }
0xad: {  	[dreg:$0x0] =	wrdreg $0x60  }
0xae: {  	[dreg:$0x2] =	wrdreg s24  }
0xaf: {  	[dreg:$0x3] =	wrdreg s2  }
0xb0: {  	[dreg:$0x4] =	wrdreg $0x90000  }
0xb1: {  	[dreg:$0x5] =	wrdreg $0x9  }
0xb2: {  	_ =	task.clear_ibuf [dreg:s7], $0x6FFFF;
	_ =	strace $0x9000004C  }
0xb3: {  	s29 =	simm.s32 $0x9;
	_ =	strace $0x8000004E  }
0xb4: {  	_ =	swait.ge [sflag:s29], $0x1  }
0xb5: {  	[sflag:s29] =	ssyncadd.s32 $0xFFFFFFFF  }
0xb6: {  	_ =	strace $0x9000004E  }
0xb7: {  	_ =	sfence  }
0xb8: {  	s30 =	sld [smem:$0x0];
	_ =	sdelay $0x2  }
0xb9: {  	s31 =	sshll.u32 s1, $0xD;
	s1 =	sshrl.u32 s1, $0x2  }
0xba: {  	s3 =	sand.u32 $0x4000, s31;
	s1 =	sadd.s32 s1, s30  }
0xbb: {  	s0 =	sor.u32 s3, s0;
	s1 =	sshll.u32 s1, $0x11  }
0xbc: {  	s0 =	sor.u32 s1, s0  }
0xbd: {  	s0 =	sadd.s32 $0x8F2B, s0  }
0xbe: {  	[sflag:s0] =	ssyncadd.remote.s32 $0x1  }
0xbf: {  	_ =	sfence.sel $0xFFFF  }
0xc0: {  	[dreg:$0x0] =	wrdreg $0xFFFFFFFF;
	(pc) =	sbr.abs _section_cstart, $3  }
0xc1: {  	[dreg:$0x1] =	wrdreg $0xFFFFFFFF  }
0xc2: {  	_ =	task.clear_ibuf [dreg:s7], $0x2FFFF;
	_ =	strace $0x9FFFFFFF  }
0xc3: {  	(tm) =	ssettm $0x7FFFFFFF  }
tec
execute0_lowered:
.L_overlay_start_1:
0x0: {  	(tag) =	ssettag $0x1  }
0x1: {  	s5 =	rddreg [dreg:$0x0]  }
0x2: {  	s0 =	srdreg.scid;
	s9 =	rddreg [dreg:$0x1]  }
0x3: {  	s2 =	rddreg [dreg:$0x2];
	s1 =	stileid.u32;
	s3 =	simm.s32 $0x0  }
0x4: {  	s15 =	simm.s32 $0x5000;
	s16 =	simm.s32 $0x1;
	s17 =	simm.s32 $0x0  }
0x5: {  	s6 =	sand.u32 $0x1, s0;
	s0 =	rddreg [dreg:$0x3];
	s8 =	smul.u32 $0x50000, s1  }
0x6: {  	[smem:$0x7FF] =	sst s3;
	s12 =	smul.u32 $0x14000, s1;
	s30 =	sshll.u32 s1, $0x6  }
0x7: {  	s4 =	sshll.u32 s6, $0x4;
	_ =	strace $0x8000004D;
	s26 =	ssub.s32 $0x2, s6  }
0x8: {  	s11 =	smul.u32 $0x140000, s6;
	s6 =	sor.u32 $0x1C02, s30;
	s4 =	sor.u32 s1, s4  }
0x9: {  	s28 =	sshrl.u32 s26, $0x1;
	s29 =	sshrl.u32 s8, $0x2;
	s7 =	smul.u32 $0x500, s4  }
0xa: {  	s4 =	sadd.s32 $0x40400, s5;
	s13 =	ssub.s32 s26, s28;
	s11 =	sadd.s32 s12, s11  }
0xb: {  	s14 =	sadd.s32 s29, s2;
	s12 =	simm.s32 $0x2;
	s31 =	sshrl.u32 s11, $0x3  }
0xc: {  	s11 =	sshrl.u32 s14, $0x3;
	s14 =	simm.s32 $0x7D;
	s10 =	sadd.s32 s7, s5  }
0xd: {  	s5 =	sadd.s32 $0x68400, s5;
	s9 =	sadd.s32 s9, s31;
	s7 =	sadd.s32 $0xE400, s10  }
0xe: {  	s8 =	sadd.s32 $0x4400, s10;
	s10 =	smax.u32 s13, $0x1;
	s13 =	simm.s32 $0x2800  }
.LBB2_1:
0xf: {  	[spmem:s11], [sflag:s6] =	dma.local [hbm:s5], $0x2800  }
0x10: {  	_ =	swait.ge [sflag:s12], $0x2800  }
0x11: {  	[sflag:s12] =	ssyncset.done $0x0  }
0x12: {  	[sflag:s12] =	ssyncadd.s32 $0xFFFFD800  }
0x13: {  	[tilespmem:s3], [sflag:$0x2] =	stream.linear.gather [hbm4b:s7+s3], $0x2800, $0x38;
	[tilespmem:$0x1D000] =	vst v63  }
0x14: {  	_ =	swait.ge [sflag:s12], $0x2800  }
0x15: {  	[sflag:s12] =	ssyncset.done $0x0  }
0x16: {  	[sflag:s12] =	ssyncadd.s32 $0xFFFFD800  }
0x17: {  	[tilespmem:s13], [sflag:$0x2] =	stream.linear.gather [hbm4b:s8+s3], $0x2800, $0x38;
	[tilespmem:$0x1D000] =	vst v63  }
0x18: {  	_ =	swait.ge [sflag:s12], $0x2800  }
0x19: {  	[sflag:s12] =	ssyncset.done $0x0  }
0x1a: {  	[sflag:s12] =	ssyncadd.s32 $0xFFFFD800  }
0x1b: {  	s18 =	simm.s32 $0x0;
	[bflag:$0x0] =	sbarrier.arrive $0xFFFF  }
0x1c: {  	[tilespmem:s15], [sflag:$0x1] =	stream.indirect.gather [hbm4b:s4+s14], $0x80, s18, s14, $0xb8;
	[tilespmem:$0x1D000] =	vst v63  }
0x1d: {  	_ =	swait.ge [sflag:s16], $0x3E80  }
0x1e: {  	[sflag:s16] =	ssyncset.done $0x0  }
0x1f: {  	s31 =	simm.s32 $0x2800;
	[sflag:s16] =	ssyncadd.s32 $0xFFFFC180  }
0x20: {  	[spmem:s2] =	stream.indirect.scatter.add.f32 [tilespmem:s15], [sflag:$0x2], $0x80, s31, s14, $0xb8;
	[tilespmem:$0x1D000] =	vst v63  }
0x21: {  	_ =	swait.ge [sflag:s12], $0x3E80  }
0x22: {  	s19 =	simm.s32 $0x400;
	s18 =	simm.s32 $0x200;
	[sflag:s12] =	ssyncset.done $0x0  }
.LBB2_2:
0x23: {  	s20 =	sshra.s32 s18, $0x2  }
0x24: {  	[sflag:s12] =	ssyncadd.s32 $0xFFFFC180;
	s18 =	smov.u32 s19;
	s21 =	sadd.s32 $0x200, s19  }
0x25: {  	[tilespmem:s15], [sflag:$0x1] =	stream.indirect.gather [hbm4b:s4+s14], $0x80, s20, s14, $0xb8;
	[tilespmem:$0x1D000] =	vst v63  }
0x26: {  	p0 =	sne.s32 s19, $0x9E00;
	_ =	swait.ge [sflag:s16], $0x3E80  }
.Ltmp0:
0x27: {  	[sflag:s16] =	ssyncset.done $0x0;
	(pc) =	sbr.rel @p0 .LBB2_2-.Ltmp0, $4  }
0x28: {  	s19 =	sadd.s32 $0x2800, s20;
	[sflag:s16] =	ssyncadd.s32 $0xFFFFC180  }
0x29: {  	[spmem:s2] =	stream.indirect.scatter.add.f32 [tilespmem:s15], [sflag:$0x2], $0x80, s19, s14, $0xb8;
	[tilespmem:$0x1D000] =	vst v63  }
0x2a: {  	_ =	swait.ge [sflag:s12], $0x3E80  }
0x2b: {  	s19 =	smov.u32 s21;
	[sflag:s12] =	ssyncset.done $0x0  }
0x2c: {  	s18 =	sshra.s32 s18, $0x2;
	[sflag:s12] =	ssyncadd.s32 $0xFFFFC180  }
0x2d: {  	[tilespmem:s15], [sflag:$0x1] =	stream.indirect.gather [hbm4b:s4+s14], $0x80, s18, s14, $0xb8;
	[tilespmem:$0x1D000] =	vst v63  }
0x2e: {  	_ =	swait.ge [sflag:s16], $0x3E80  }
0x2f: {  	[sflag:s16] =	ssyncset.done $0x0  }
0x30: {  	s18 =	sadd.s32 $0x2800, s18;
	[sflag:s16] =	ssyncadd.s32 $0xFFFFC180  }
0x31: {  	[spmem:s2] =	stream.indirect.scatter.add.f32 [tilespmem:s15], [sflag:$0x2], $0x80, s18, s14, $0xb8;
	[tilespmem:$0x1D000] =	vst v63  }
0x32: {  	_ =	swait.ge [sflag:s12], $0x3E80  }
0x33: {  	s17 =	sadd.s32 $0x1, s17;
	[sflag:s12] =	ssyncset.done $0x0  }
0x34: {  	p0 =	sne.s32 s17, s10;
	[sflag:s12] =	ssyncadd.s32 $0xFFFFC180  }
.Ltmp1:
0x35: {  	[bflag:$0x0] =	sbarrier.arrive $0xFFFF;
	(pc) =	sbr.rel @p0 .LBB2_1-.Ltmp1, $4  }
0x36: {  	[hbm:s9], [sflag:s6] =	dma.local [spmem:s11], $0x2800  }
0x37: {  	_ =	swait.ge [sflag:s12], $0x2800  }
0x38: {  	[sflag:s12] =	ssyncset.done $0x0  }
0x39: {  	[sflag:s12] =	ssyncadd.s32 $0xFFFFD800  }
0x3a: {  	_ =	sfence.sel $0x180000  }
0x3b: {  	[bflag:$0x0] =	sbarrier.arrive $0xFFFF  }
0x3c: {  	p0 =	sne.s32 s1, $0x0;
	_ =	strace $0x9000004D  }
0x3d: {  	s0 =	sadd.s32 @!p0 $0x100000, s0;
	[bflag:$0x2] =	sbarrier.arrive $0xFFFF  }
0x3e: {  	[sflag:s0] =	ssyncadd.tile.s32 @!p0 $0x1;
	_ =	shalt  }
.Lfunc_end2:
_tile_overlayer_lowered:
.L_overlay_start_2:
0x3f: {  	(tag) =	ssettag $0x2  }
0x40: {  	s0 =	rddreg [dreg:$0x0];
	s2 =	stileid.u32  }
0x41: {  	s1 =	rddreg [dreg:$0x1];
	p0 =	sne.s32 s2, $0x0  }
0x42: {  	s3 =	rddreg [dreg:$0x2];
	[bflag:$0x3] =	sbarrier.arrive $0xFFFF;
	s2 =	simm.s32 @!p0 $0x1C02  }
0x43: {  	[timem:s3], [sflag:s2] =	dma.local @!p0 [hbm:s0], s1  }
0x44: {  	s0 =	simm.s32 @!p0 $0x2  }
0x45: {  	_ =	swait.ge @!p0 [sflag:s0], s1  }
0x46: {  	s1 =	ssub.s32 @!p0 $0x0, s1;
	[sflag:s0] =	ssyncset.done @!p0 $0x0  }
0x47: {  	[sflag:s0] =	ssyncadd.s32 @!p0 s1  }
0x48: {  	[bflag:$0x3] =	sbarrier.arrive $0xFFFF  }
0x49: {  	_ =	shalt  }

// kernel: kernel.19.cloned.1.call-start
scs
__scs_entry_jumppad:
0x0: {  	(pc) =	sbr.rel $0x88, $3  }
0x1: {  	(tag) =	ssettag $0x0;
	lr =	simm.s32 $0x1  }
0x2: {  	[smem:$0x3F97] =	sst lr;
	_ =	strace $0xD0000000  }
0x3: {  	_ = 	snop  }
0x4: {  	_ = 	snop  }
0x5: {  	_ = 	snop  }
0x6: {  	_ = 	snop  }
0x7: {  	_ = 	snop  }
__scs_overlays_trampoline_lowered:
0x8: {  	[smem:$0x3FA6] =	sst s0  }
0x9: {  	[smem:$0x3FA7] =	sst s1  }
0xa: {  	[smem:$0x3FA8] =	sst s2  }
0xb: {  	[smem:$0x3FA9] =	sst s3  }
0xc: {  	[smem:$0x3FAA] =	sst s4  }
0xd: {  	[smem:$0x3FAB] =	sst s5  }
0xe: {  	[smem:$0x3FAC] =	sst s6  }
0xf: {  	[smem:$0x3FAD] =	sst s7  }
0x10: {  	[smem:$0x3FAE] =	sst s8  }
0x11: {  	[smem:$0x3FAF] =	sst s9;
	s0 =	simm.s32 @!p0 $0x0  }
0x12: {  	s1 =	sld [smem:$0x3F95];
	s0 =	simm.s32 @p0 $0x1  }
0x13: {  	[smem:$0x3FB0] =	sst s0;
	s0 =	simm.s32 @!p1 $0x0  }
0x14: {  	s2 =	sld [smem:$0x3F94];
	s0 =	simm.s32 @p1 $0x1  }
0x15: {  	[smem:$0x3FB1] =	sst s0;
	s0 =	simm.s32 @!p2 $0x0  }
0x16: {  	s3 =	sld [smem:$0x3FDB];
	s0 =	simm.s32 @p2 $0x1  }
0x17: {  	s4 =	simm.s32 $0x1BF5;
	[smem:$0x3FB3] =	sst s0  }
0x18: {  	s0 =	sld [smem:$0x3F96];
	_ =	swait.ge [sflag:s4], $0x0  }
0x19: {  	s7 =	sld [smem:$0x3F97]  }
0x1a: {  	s8 =	sadd.s32 $0xFFFFE003, lr  }
0x1b: {  	s9 =	sadd.s32 $0xFFFFFEF7, lr;
	s5 =	simm.s32 $0xFFFFFFFF;
	p2 =	slt.u32 s8, $0xFFFFF086  }
0x1c: {  	p1 =	slt.u32 s9, $0xF7A;
	s5 =	simm.s32 @!p2 $0x0  }
0x1d: {  	s5 =	simm.s32 @p1 $0x1;
	p0 =	seq.s32 s7, s2  }
0x1e: {  	s7 =	smul.u32 @!p0 $0xF7A, s2;
	p2 =	seq.s32 @!p0 s5, $0x0  }
0x1f: {  	s9 =	smul.u32 $0xF7A, s1;
	s8 =	simm.s32 @!p0 $0x1BF5;
	p2 =	por !p2, p0  }
0x20: {  	[sflag:s8] =	ssyncset.s32 @!p0 $0xFFFFF086;
	s6 =	sadd.s32 @!p0 s3, s7;
	s7 =	simm.s32 @!p0 $0x108  }
0x21: {  	s3 =	sadd.s32 s3, s9;
	s6 =	sadd.s32 @!p0 $0x88, s6;
	s7 =	simm.s32 @p2 $0x1082  }
0x22: {  	[simem:s7], [sflag:s8] =	dma.local @!p0 [hbm:s6], $0xF7A  }
0x23: {  	s9 =	sor.u32 $0xD0000000, s2;
	s6 =	simm.s32 $0x108;
	_ =	swait.ge @!p0 [sflag:s8], $0x0  }
0x24: {  	s3 =	sadd.s32 $0x88, s3;
	s6 =	simm.s32 @!p1 $0x1082;
	[sflag:s4] =	ssyncset.s32 $0xFFFFF086  }
0x25: {  	[simem:s6], [sflag:s4] =	dma.local [hbm:s3], $0xF7A  }
0x26: {  	[smem:$0x3F97] =	sst s1;
	(tag) =	ssettag s2;
	_ =	strace s9  }
0x27: {  	s1 =	sld [smem:$0x3FA7]  }
0x28: {  	s2 =	sld [smem:$0x3FA8]  }
0x29: {  	s4 =	sld [smem:$0x3FAA]  }
0x2a: {  	p0 =	seq.s32 s5, $0x0;
	s5 =	sld [smem:$0x3FAB]  }
0x2b: {  	s6 =	sld [smem:$0x3FAC]  }
0x2c: {  	s7 =	sld [smem:$0x3FAD]  }
0x2d: {  	s3 =	simm.s32 $0x108;
	s8 =	sld [smem:$0x3FAE]  }
0x2e: {  	s3 =	simm.s32 @!p0 $0x1082;
	s9 =	sld [smem:$0x3FAF]  }
0x2f: {  	lr =	sadd.s32 s0, s3;
	s0 =	sld [smem:$0x3FA6]  }
0x30: {  	s3 =	sld [smem:$0x3FA9]  }
0x31: {  	[smem:$0x3FB2] =	sst s10  }
0x32: {  	s10 =	sld [smem:$0x3FB0];
	_ =	sdelay $0x3  }
0x33: {  	p0 =	seq.s32 s10, $0x1;
	s10 =	sld [smem:$0x3FB2];
	_ =	sdelay $0x3  }
0x34: {  	[smem:$0x3FB2] =	sst s10  }
0x35: {  	s10 =	sld [smem:$0x3FB1];
	_ =	sdelay $0x3  }
0x36: {  	p1 =	seq.s32 s10, $0x1;
	s10 =	sld [smem:$0x3FB2];
	_ =	sdelay $0x3  }
0x37: {  	[smem:$0x3FB2] =	sst s10  }
0x38: {  	s10 =	sld [smem:$0x3FB3]  }
0x39: {  	_ = 	snop;
	(pc) =	sbr.ind lr, $3  }
0x3a: {  	_ = 	snop  }
0x3b: {  	_ = 	snop  }
0x3c: {  	p2 =	seq.s32 s10, $0x1;
	s10 =	sld [smem:$0x3FB2]  }
0x3d: {  	_ =	shalt  }
0x3e: {  	_ =	shalt  }
0x3f: {  	_ =	shalt  }
0x40: {  	_ =	shalt  }
0x41: {  	_ =	shalt  }
0x42: {  	_ =	shalt  }
0x43: {  	_ =	shalt  }
0x44: {  	_ =	shalt  }
0x45: {  	_ =	shalt  }
0x46: {  	_ =	shalt  }
0x47: {  	_ =	shalt  }
0x48: {  	_ =	shalt  }
0x49: {  	_ =	shalt  }
0x4a: {  	_ =	shalt  }
0x4b: {  	_ =	shalt  }
0x4c: {  	_ =	shalt  }
0x4d: {  	_ =	shalt  }
0x4e: {  	_ =	shalt  }
0x4f: {  	_ =	shalt  }
0x50: {  	_ =	shalt  }
0x51: {  	_ =	shalt  }
0x52: {  	_ =	shalt  }
0x53: {  	_ =	shalt  }
0x54: {  	_ =	shalt  }
0x55: {  	_ =	shalt  }
0x56: {  	_ =	shalt  }
0x57: {  	_ =	shalt  }
0x58: {  	_ =	shalt  }
0x59: {  	_ =	shalt  }
0x5a: {  	_ =	shalt  }
0x5b: {  	_ =	shalt  }
0x5c: {  	_ =	shalt  }
0x5d: {  	_ =	shalt  }
0x5e: {  	_ =	shalt  }
0x5f: {  	_ =	shalt  }
0x60: {  	_ =	shalt  }
0x61: {  	_ =	shalt  }
0x62: {  	_ =	shalt  }
0x63: {  	_ =	shalt  }
0x64: {  	_ =	shalt  }
0x65: {  	_ =	shalt  }
0x66: {  	_ =	shalt  }
0x67: {  	_ =	shalt  }
0x68: {  	_ =	shalt  }
0x69: {  	_ =	shalt  }
0x6a: {  	_ =	shalt  }
0x6b: {  	_ =	shalt  }
0x6c: {  	_ =	shalt  }
0x6d: {  	_ =	shalt  }
0x6e: {  	_ =	shalt  }
0x6f: {  	_ =	shalt  }
0x70: {  	_ =	shalt  }
0x71: {  	_ =	shalt  }
0x72: {  	_ =	shalt  }
0x73: {  	_ =	shalt  }
0x74: {  	_ =	shalt  }
0x75: {  	_ =	shalt  }
0x76: {  	_ =	shalt  }
0x77: {  	_ =	shalt  }
0x78: {  	_ =	shalt  }
0x79: {  	_ =	shalt  }
0x7a: {  	_ =	shalt  }
0x7b: {  	_ =	shalt  }
0x7c: {  	_ =	shalt  }
0x7d: {  	_ =	shalt  }
0x7e: {  	_ =	shalt  }
0x7f: {  	_ =	shalt  }
0x80: {  	_ =	shalt  }
0x81: {  	_ =	shalt  }
0x82: {  	_ =	shalt  }
0x83: {  	_ =	shalt  }
0x84: {  	_ =	shalt  }
0x85: {  	_ =	shalt  }
0x86: {  	_ =	shalt  }
0x87: {  	_ =	shalt  }
.Lfunc_end0:
.L_simem_size_0:
called_computation.3_lowered:
.L_overlay_start_0:
0x88: {  	s2 =	sld [smem:$0x3FD9]  }
0x89: {  	s3 =	sld [smem:$0x3FFE];
	_ =	sdelay $0x1  }
0x8a: {  	s1 =	srdreg.scid  }
0x8b: {  	s0 =	sand.u32 $0x1, s1  }
0x8c: {  	s17 =	sshll.u32 s0, $0xA;
	s2 =	sadd.s32 s3, s2  }
0x8d: {  	s2 =	sadd.s32 s2, s17  }
0x8e: {  	[smem:$0x3FBE] =	sst s2  }
0x8f: {  	_ = 	snop  }
0x90: {  	s2 =	sld [smem:$0x3FD0];
	(tm) =	ssettm $0x1  }
0x91: {  	s18 =	sld [smem:$0x3FFB];
	_ =	sdelay $0x3  }
0x92: {  	_ =	strace s18  }
0x93: {  	s3 =	sld [smem:$0x3FFC];
	_ =	sdelay $0x3  }
0x94: {  	_ =	strace s3  }
0x95: {  	s3 =	sld [smem:$0x3FFD];
	_ =	sdelay $0x3  }
0x96: {  	_ =	strace s3  }
0x97: {  	_ =	strace $0x8FFFFFFF  }
0x98: {  	s19 =	sld [smem:$0x3FDB];
	_ =	sdelay $0x1  }
0x99: {  	s4 =	simm.s32 $_scs_section_size  }
0x9a: {  	s5 =	simm.s32 $_size__tile_overlayer_lowered;
	s6 =	simm.s32 $_tile_overlayer_lowered  }
0x9b: {  	s22 =	simm.s32 $0x1BFF;
	s21 =	sshll.u32 s6, $0x1;
	s3 =	sadd.s32 s4, s19  }
0x9c: {  	s7 =	simm.s32 $0x0;
	s20 =	sshll.u32 s5, $0x1;
	s5 =	sadd.s32 s21, s3  }
0x9d: {  	[timem:s7], [sflag:s22] =	dma.local [hbm:s5], s20  }
0x9e: {  	_ =	swait.ge [sflag:s22], s20  }
0x9f: {  	s4 =	ssub.s32 $0x0, s20;
	[sflag:s22] =	ssyncset.done $0x0  }
0xa0: {  	[sflag:s22] =	ssyncadd.s32 s4;
	_ =	sdelay $0x1  }
0xa1: {  	s23 =	simm.s32 $0x1B8B  }
0xa2: {  	_ =	swait.ge [sflag:s23], $0x1  }
0xa3: {  	[sflag:s23] =	ssyncset.done $0x0  }
0xa4: {  	s25 =	simm.s32 $0x1B8E;
	s24 =	sld [smem:$0x3FFE];
	[sflag:s23] =	ssyncadd.s32 $0xFFFFFFFF  }
0xa5: {  	s26 =	simm.s32 $execute0_lowered;
	[smem:$0x3FD2] =	sst s25  }
0xa6: {  	s5 =	sshll.u32 s26, $0x1;
	_ =	strace $0x8000004F;
	[dreg:$0x1] =	wrdreg $0xFFFFFFFF  }
0xa7: {  	s28 =	simm.s32 $_size_execute0_lowered;
	s3 =	sadd.s32 s3, s5;
	[dreg:$0x0] =	wrdreg $0x0  }
0xa8: {  	s5 =	sshll.u32 s28, $0x1;
	[dreg:$0x2] =	wrdreg s3  }
0xa9: {  	[dreg:$0x3] =	wrdreg s5  }
0xaa: {  	[dreg:$0x4] =	wrdreg $0xC0  }
0xab: {  	_ =	task [dreg:s7], $0x5FFFF  }
0xac: {  	[dreg:$0x1] =	wrdreg $0xFFFFFFFF  }
0xad: {  	[dreg:$0x0] =	wrdreg $0x60  }
0xae: {  	[dreg:$0x2] =	wrdreg s2  }
0xaf: {  	[dreg:$0x3] =	wrdreg s24  }
0xb0: {  	[dreg:$0x4] =	wrdreg $0x9  }
0xb1: {  	_ =	task.clear_ibuf [dreg:s7], $0x5FFFF;
	_ =	strace $0x9000004F  }
0xb2: {  	s29 =	simm.s32 $0x9;
	_ =	strace $0x80000051  }
0xb3: {  	_ =	swait.ge [sflag:s29], $0x1  }
0xb4: {  	[sflag:s29] =	ssyncadd.s32 $0xFFFFFFFF  }
0xb5: {  	_ =	strace $0x90000051  }
0xb6: {  	_ =	sfence  }
0xb7: {  	s30 =	sld [smem:$0x0];
	_ =	sdelay $0x2  }
0xb8: {  	s31 =	sshll.u32 s1, $0xD;
	s1 =	sshrl.u32 s1, $0x2  }
0xb9: {  	s3 =	sand.u32 $0x4000, s31;
	s1 =	sadd.s32 s1, s30  }
0xba: {  	s0 =	sor.u32 s3, s0;
	s1 =	sshll.u32 s1, $0x11  }
0xbb: {  	s0 =	sor.u32 s1, s0  }
0xbc: {  	s0 =	sadd.s32 $0x8F2B, s0  }
0xbd: {  	[sflag:s0] =	ssyncadd.remote.s32 $0x1  }
0xbe: {  	_ =	sfence.sel $0xFFFF  }
0xbf: {  	[dreg:$0x0] =	wrdreg $0xFFFFFFFF;
	(pc) =	sbr.abs _section_cstart, $3  }
0xc0: {  	[dreg:$0x1] =	wrdreg $0xFFFFFFFF  }
0xc1: {  	_ =	task.clear_ibuf [dreg:s7], $0x2FFFF;
	_ =	strace $0x9FFFFFFF  }
0xc2: {  	(tm) =	ssettm $0x7FFFFFFF  }
0xc3: {  	_ =	shalt  }
tec
execute0_lowered:
.L_overlay_start_1:
0x0: {  	(tag) =	ssettag $0x1  }
0x1: {  	s1 =	rddreg [dreg:$0x0]  }
0x2: {  	s5 =	rddreg [dreg:$0x1]  }
0x3: {  	s2 =	srdreg.scid;
	s0 =	rddreg [dreg:$0x2]  }
0x4: {  	s3 =	simm.s32 $0x0;
	s10 =	simm.s32 $0x4000;
	s11 =	simm.s32 $0x50  }
0x5: {  	s12 =	simm.s32 $0x8000;
	s13 =	simm.s32 $0xA800;
	s14 =	simm.s32 $0x1  }
0x6: {  	s15 =	simm.s32 $0x2;
	s16 =	simm.s32 $0x0;
	s4 =	sand.u32 $0x1, s2  }
0x7: {  	s2 =	stileid.u32;
	[smem:$0x7FF] =	sst s3;
	s6 =	sshll.u32 s4, $0x4  }
0x8: {  	_ =	strace $0x80000050;
	s8 =	ssub.s32 $0x2, s4;
	s6 =	sor.u32 s2, s6  }
0x9: {  	s4 =	sadd.s32 $0x3A00, s5;
	s9 =	sshrl.u32 s8, $0x1;
	s7 =	smul.u32 $0x27100, s6  }
0xa: {  	s6 =	sshll.u32 s6, $0xB;
	s8 =	ssub.s32 s8, s9;
	s9 =	simm.s32 $0x3  }
0xb: {  	s6 =	sadd.s32 s6, s5;
	s8 =	smax.u32 s8, $0x1;
	s7 =	sadd.s32 s7, s5  }
0xc: {  	s5 =	sadd.s32 $0x6AC00, s6;
	s6 =	sadd.s32 $0x7AC00, s6;
	s7 =	sadd.s32 $0x8AC00, s7  }
.LBB2_1:
0xd: {  	[tilespmem:s3], [sflag:$0x3] =	stream.linear.gather [hbm4b:s5+s3], $0x3E80, $0x38;
	[tilespmem:$0xD000] =	vst v63  }
0xe: {  	_ =	swait.ge [sflag:s9], $0x3E80  }
0xf: {  	[sflag:s9] =	ssyncset.done $0x0  }
0x10: {  	[sflag:s9] =	ssyncadd.s32 $0xFFFFC180  }
0x11: {  	[tilespmem:s10], [sflag:$0x3] =	stream.linear.gather [hbm4b:s6+s3], $0x3E80, $0x38;
	[tilespmem:$0xD000] =	vst v63  }
0x12: {  	_ =	swait.ge [sflag:s9], $0x3E80  }
0x13: {  	[sflag:s9] =	ssyncset.done $0x0  }
0x14: {  	s17 =	simm.s32 $0x0;
	[sflag:s9] =	ssyncadd.s32 $0xFFFFC180  }
.LBB2_2:
0x15: {  	s18 =	sshll.u32 s17, $0x7  }
0x16: {  	[tilespmem:s12], [sflag:$0x1] =	stream.indirect.gather [hbm4b:s1+s11], $0x80, s18, s11, $0xb8;
	[tilespmem:$0xD000] =	vst v63  }
0x17: {  	s18 =	sadd.s32 $0x4000, s18  }
0x18: {  	[tilespmem:s13], [sflag:$0x2] =	stream.indirect.gather [hbm4b:s4+s11], $0x80, s18, s11, $0xb8;
	[tilespmem:$0xD000] =	vst v63  }
0x19: {  	_ =	swait.ge [sflag:s14], $0x2800  }
0x1a: {  	[sflag:s14] =	ssyncset.done $0x0  }
0x1b: {  	[sflag:s14] =	ssyncadd.s32 $0xFFFFD800  }
0x1c: {  	_ =	swait.ge [sflag:s15], $0x2800  }
0x1d: {  	[sflag:s15] =	ssyncset.done $0x0  }
0x1e: {  	s18 =	simm.s32 $0x0;
	[sflag:s15] =	ssyncadd.s32 $0xFFFFD800  }
0x1f: {  	v6 =	vld [tilespmem:s18+$0xA800]  }
0x20: {  	v11 =	vld [tilespmem:s18+$0xA810]  }
0x21: {  	v5 =	vld [tilespmem:s18+$0xA820]  }
0x22: {  	v4 =	vld [tilespmem:s18+$0xA830]  }
0x23: {  	v3 =	vld [tilespmem:s18+$0xA840]  }
0x24: {  	v2 =	vld [tilespmem:s18+$0xA850]  }
0x25: {  	v1 =	vld [tilespmem:s18+$0xA860]  }
0x26: {  	v0 =	vld [tilespmem:s18+$0xA870]  }
0x27: {  	v12 =	vld [tilespmem:s18+$0x8000]  }
0x28: {  	v13 =	vld [tilespmem:s18+$0x8010]  }
0x29: {  	v10 =	vld [tilespmem:s18+$0x8020]  }
0x2a: {  	v9 =	vld [tilespmem:s18+$0x8030]  }
0x2b: {  	v8 =	vld [tilespmem:s18+$0x8040]  }
0x2c: {  	v7 =	vld [tilespmem:s18+$0x8050];
	v12 =	vadd.f32 v6, v12  }
0x2d: {  	s19 =	simm.s32 $0x200;
	v11 =	vadd.f32 v11, v13;
	v6 =	vld [tilespmem:s18+$0x8060]  }
.LBB2_3:
0x2e: {  	s20 =	sshra.s32 s19, $0x2;
	p0 =	sne.s32 s19, $0x9E00;
	v12 =	vmax.f32 v12, $0.0e+00;
	v5 =	vadd.f32 v5, v10;
	v10 =	vld [tilespmem:s18+$0x8070]  }
0x2f: {  	v13 =	vld [tilespmem:s20+$0xA800];
	[tilespmem:s18+$0x8000] =	vst v12;
	v11 =	vmax.f32 v11, $0.0e+00;
	v4 =	vadd.f32 v4, v9  }
0x30: {  	v14 =	vld [tilespmem:s20+$0xA810];
	[tilespmem:s18+$0x8010] =	vst v11;
	v9 =	vmax.f32 v5, $0.0e+00;
	v3 =	vadd.f32 v3, v8  }
0x31: {  	v5 =	vld [tilespmem:s20+$0xA820];
	[tilespmem:s18+$0x8020] =	vst v9;
	v8 =	vmax.f32 v4, $0.0e+00;
	v2 =	vadd.f32 v2, v7  }
0x32: {  	v4 =	vld [tilespmem:s20+$0xA830];
	[tilespmem:s18+$0x8030] =	vst v8;
	v7 =	vmax.f32 v3, $0.0e+00;
	v1 =	vadd.f32 v1, v6  }
0x33: {  	v3 =	vld [tilespmem:s20+$0xA840];
	[tilespmem:s18+$0x8040] =	vst v7;
	v6 =	vmax.f32 v2, $0.0e+00;
	v0 =	vadd.f32 v0, v10  }
0x34: {  	v2 =	vld [tilespmem:s20+$0xA850];
	[tilespmem:s18+$0x8050] =	vst v6;
	v6 =	vmax.f32 v1, $0.0e+00  }
0x35: {  	v1 =	vld [tilespmem:s20+$0xA860];
	[tilespmem:s18+$0x8060] =	vst v6;
	v6 =	vmax.f32 v0, $0.0e+00  }
0x36: {  	v0 =	vld [tilespmem:s20+$0xA870];
	[tilespmem:s18+$0x8070] =	vst v6;
	s18 =	smov.u32 s20  }
0x37: {  	v6 =	vld [tilespmem:s18+$0x8000]  }
0x38: {  	v11 =	vld [tilespmem:s18+$0x8010]  }
.Ltmp0:
0x39: {  	v10 =	vld [tilespmem:s18+$0x8020];
	(pc) =	sbr.rel @p0 .LBB2_3-.Ltmp0, $4  }
0x3a: {  	v9 =	vld [tilespmem:s18+$0x8030]  }
0x3b: {  	v8 =	vld [tilespmem:s18+$0x8040]  }
0x3c: {  	v12 =	vadd.f32 v13, v6;
	v7 =	vld [tilespmem:s18+$0x8050]  }
0x3d: {  	s19 =	sadd.s32 $0x200, s19;
	v11 =	vadd.f32 v14, v11;
	v6 =	vld [tilespmem:s18+$0x8060]  }
0x3e: {  	v12 =	vmax.f32 v12, $0.0e+00;
	v5 =	vadd.f32 v5, v10;
	v63 =	vld [tilespmem:s18+$0x8070]  }
0x3f: {  	[tilespmem:s18+$0x8000] =	vst v12;
	v11 =	vmax.f32 v11, $0.0e+00;
	v4 =	vadd.f32 v4, v9  }
0x40: {  	[tilespmem:s18+$0x8010] =	vst v11;
	v5 =	vmax.f32 v5, $0.0e+00;
	v3 =	vadd.f32 v3, v8  }
0x41: {  	[tilespmem:s18+$0x8020] =	vst v5;
	v4 =	vmax.f32 v4, $0.0e+00;
	v2 =	vadd.f32 v2, v7  }
0x42: {  	[tilespmem:s18+$0x8030] =	vst v4;
	v3 =	vmax.f32 v3, $0.0e+00;
	v1 =	vadd.f32 v1, v6  }
0x43: {  	[tilespmem:s18+$0x8040] =	vst v3;
	v2 =	vmax.f32 v2, $0.0e+00;
	v0 =	vadd.f32 v0, v63  }
0x44: {  	s19 =	smul.u32 $0x500, s17;
	s17 =	sadd.s32 $0x1, s17;
	[tilespmem:s18+$0x8050] =	vst v2;
	v1 =	vmax.f32 v1, $0.0e+00  }
0x45: {  	p0 =	sne.s32 s17, $0x7D;
	[tilespmem:s18+$0x8060] =	vst v1;
	v0 =	vmax.f32 v0, $0.0e+00  }
.Ltmp1:
0x46: {  	s31 =	sadd.s32 s7, s19;
	[tilespmem:s18+$0x8070] =	vst v0;
	(pc) =	sbr.rel @p0 .LBB2_2-.Ltmp1, $4  }
0x47: {  	[hbm4b:s31+s3] =	stream.linear.scatter [tilespmem:s12], [sflag:$0x3], $0x2800, $0x38;
	[tilespmem:$0xD000] =	vst v63  }
0x48: {  	_ =	swait.ge [sflag:s9], $0x2800  }
0x49: {  	[sflag:s9] =	ssyncset.done $0x0  }
0x4a: {  	[sflag:s9] =	ssyncadd.s32 $0xFFFFD800  }
0x4b: {  	s16 =	sadd.s32 $0x1, s16  }
0x4c: {  	p0 =	sne.s32 s16, s8  }
.Ltmp2:
0x4d: {  	_ = 	snop;
	(pc) =	sbr.rel @p0 .LBB2_1-.Ltmp2, $1  }
0x4e: {  	_ =	sdelay $0x3  }
0x4f: {  	_ =	sfence.sel $0x180000  }
0x50: {  	[bflag:$0x0] =	sbarrier.arrive $0xFFFF  }
0x51: {  	p0 =	sne.s32 s2, $0x0;
	_ =	strace $0x90000050  }
0x52: {  	s0 =	sadd.s32 @!p0 $0x100000, s0;
	[bflag:$0x2] =	sbarrier.arrive $0xFFFF  }
0x53: {  	[sflag:s0] =	ssyncadd.tile.s32 @!p0 $0x1;
	_ =	shalt  }
.Lfunc_end2:
_tile_overlayer_lowered:
.L_overlay_start_2:
0x54: {  	(tag) =	ssettag $0x2  }
0x55: {  	s0 =	rddreg [dreg:$0x0];
	s2 =	stileid.u32  }
0x56: {  	s1 =	rddreg [dreg:$0x1];
	p0 =	sne.s32 s2, $0x0  }
0x57: {  	s3 =	rddreg [dreg:$0x2];
	[bflag:$0x3] =	sbarrier.arrive $0xFFFF;
	s2 =	simm.s32 @!p0 $0x1C03  }
0x58: {  	[timem:s3], [sflag:s2] =	dma.local @!p0 [hbm:s0], s1  }
0x59: {  	s0 =	simm.s32 @!p0 $0x3  }
0x5a: {  	_ =	swait.ge @!p0 [sflag:s0], s1  }
0x5b: {  	s1 =	ssub.s32 @!p0 $0x0, s1;
	[sflag:s0] =	ssyncset.done @!p0 $0x0  }
0x5c: {  	[sflag:s0] =	ssyncadd.s32 @!p0 s1  }
0x5d: {  	[bflag:$0x3] =	sbarrier.arrive $0xFFFF  }
0x5e: {  	_ =	shalt  }

</sc_bundles>
